<compile_context>
chip_gen: v7x
topology: tpu7x:2x2x1
jax: 0.10.2.dev20260603
libtpu: 0.0.44.dev20260713+nightly
codegen_flags: <defaults>
</compile_context>

<pallas_src>
import functools

import jax
import jax.numpy as jnp
from jax import lax
from jax.experimental import pallas as pl
from jax.experimental.pallas import tpu as pltpu
from jax.experimental.pallas import tpu_sc as plsc

_NC = 2
_NS = 16
_NW = _NC * _NS
_LANES = 128
_NBUF = 4


def _sc_mesh():
    return plsc.VectorSubcoreMesh(core_axis_name="c", subcore_axis_name="s")


_CHUNK = 64


def _edge_segsum(ent_embs, nid_pad, src_flat, dst_flat, zeros_block,
                 acc_rows, d):
    n_pad = nid_pad.shape[0]
    e_per_tile = src_flat.shape[0] // _NW
    n_chunks = e_per_tile // _CHUNK
    tail = e_per_tile - n_chunks * _CHUNK
    groups = n_chunks // _NBUF
    acc_per_sub = acc_rows // _NS

    @functools.partial(
        pl.kernel,
        out_type=jax.ShapeDtypeStruct((_NC, acc_rows, d), jnp.float32),
        mesh=_sc_mesh(),
        compiler_params=pltpu.CompilerParams(needs_layout_passes=False),
        scratch_types=[
            pltpu.VMEM((n_pad,), jnp.int32),
            [pltpu.VMEM((_CHUNK,), jnp.int32) for _ in range(_NBUF)],
            [pltpu.VMEM((_CHUNK,), jnp.int32) for _ in range(_NBUF)],
            [pltpu.VMEM((_CHUNK,), jnp.int32) for _ in range(_NBUF)],
            [pltpu.VMEM((_CHUNK,), jnp.int32) for _ in range(_NBUF)],
            [pltpu.VMEM((_CHUNK, d), jnp.float32) for _ in range(_NBUF)],
            [pltpu.VMEM((max(tail, 8),), jnp.int32) for _ in range(3)],
            pltpu.VMEM((max(tail, 8), d), jnp.float32),
            pltpu.VMEM_SHARED((acc_rows, d), jnp.float32),
            [pltpu.SemaphoreType.DMA for _ in range(_NBUF)],
            [pltpu.SemaphoreType.DMA for _ in range(_NBUF)],
            [pltpu.SemaphoreType.DMA for _ in range(_NBUF)],
        ],
    )
    def k(ent_hbm, nid_hbm, src_hbm, dst_hbm, zero_hbm, out_hbm,
          nid_v, srcb, dstb, cidxb, dstc, rows, tailb, tailrows, acc,
          isems, rsems, ssems):
        c = lax.axis_index("c")
        s = lax.axis_index("s")
        wid = c * _NS + s
        ebase = wid * e_per_tile

        def idx_copies(j, b):
            off = ebase + j * _CHUNK
            a1 = pltpu.async_copy(src_hbm.at[pl.ds(off, _CHUNK)], srcb[b],
                                  isems[b])
            a2 = pltpu.async_copy(dst_hbm.at[pl.ds(off, _CHUNK)], dstb[b],
                                  isems[b])
            return a1, a2

        def start_idx(j, b):
            idx_copies(j, b)

        def wait_idx(j, b):
            a1, a2 = pltpu.make_async_copy(
                src_hbm.at[pl.ds(ebase + j * _CHUNK, _CHUNK)], srcb[b],
                isems[b]), pltpu.make_async_copy(
                dst_hbm.at[pl.ds(ebase + j * _CHUNK, _CHUNK)], dstb[b],
                isems[b])
            a1.wait()
            a2.wait()

        def fill_and_gather(b):
            for l in range(_CHUNK // 16):
                s16 = srcb[b][pl.ds(l * 16, 16)]
                cidxb[b][pl.ds(l * 16, 16)] = plsc.load_gather(nid_v, [s16])
                dstc[b][pl.ds(l * 16, 16)] = dstb[b][pl.ds(l * 16, 16)]
            pltpu.async_copy(ent_hbm.at[cidxb[b]], rows[b], rsems[b])

        def wait_gather(b):
            pltpu.make_async_copy(ent_hbm.at[cidxb[b]], rows[b],
                                  rsems[b]).wait()

        def start_scatter(b):
            pltpu.async_copy(rows[b], acc.at[dstc[b]], ssems[b], add=True)

        def wait_scatter(b):
            pltpu.make_async_copy(rows[b], acc.at[dstc[b]], ssems[b]).wait()

        pltpu.sync_copy(zero_hbm, acc.at[pl.ds(s * acc_per_sub, acc_per_sub)])
        pltpu.sync_copy(nid_hbm, nid_v)
        for b in range(_NBUF):
            start_idx(b, b)
        for b in range(_NBUF - 2):
            wait_idx(b, b)
            fill_and_gather(b)
        plsc.subcore_barrier()

        def group(g, carry):
            for b in range(_NBUF):
                j = g * _NBUF + b
                wait_gather(b)
                start_scatter(b)
                jn = j + (_NBUF - 2)
                bn = (b + _NBUF - 2) % _NBUF

                @pl.when(jn < n_chunks)
                def _():
                    @pl.when(jn >= _NBUF)
                    def _():
                        wait_scatter(bn)
                    wait_idx(jn, bn)
                    fill_and_gather(bn)
                jj = j + _NBUF

                @pl.when(jj < n_chunks)
                def _():
                    start_idx(jj, b)
            return carry

        lax.fori_loop(0, groups, group, 0)
        for b in range(_NBUF):
            wait_scatter(b)
        if tail:
            st, dt, ct = tailb
            off = ebase + n_chunks * _CHUNK
            pltpu.sync_copy(src_hbm.at[pl.ds(off, tail)], st)
            pltpu.sync_copy(dst_hbm.at[pl.ds(off, tail)], dt)
            for l in range(tail // 16):
                s16 = st[pl.ds(l * 16, 16)]
                ct[pl.ds(l * 16, 16)] = plsc.load_gather(nid_v, [s16])
            pltpu.async_copy(ent_hbm.at[ct], tailrows, rsems[0]).wait()
            pltpu.sync_copy(tailrows, acc.at[dt], add=True)
        plsc.subcore_barrier()
        pltpu.sync_copy(acc.at[pl.ds(s * acc_per_sub, acc_per_sub)],
                        out_hbm.at[c, pl.ds(s * acc_per_sub, acc_per_sub)])

    return k(ent_embs, nid_pad, src_flat, dst_flat, zeros_block)


def _dense_body(p0, p1, er, onorm, wn, wt1, wt2, wht, bih, bhh, out):
    d = wn.shape[0]
    a = p0[0] + p1[0]
    t = jnp.dot(a, wn[...], preferred_element_type=jnp.float32)
    e_new = t * onorm[...]
    er_v = er[...]
    gi = (jnp.dot(e_new, wt1[...], preferred_element_type=jnp.float32)
          + jnp.dot(er_v, wt2[...], preferred_element_type=jnp.float32)
          + bih[...])
    gh = jnp.dot(er_v, wht[...], preferred_element_type=jnp.float32) + bhh[...]
    r = jax.nn.sigmoid(gi[:, :d] + gh[:, :d])
    z = jax.nn.sigmoid(gi[:, d:2 * d] + gh[:, d:2 * d])
    n = jnp.tanh(gi[:, 2 * d:] + r * gh[:, 2 * d:])
    h0 = (1.0 - z) * n + z * er_v
    h0 = jnp.maximum(h0, 0.0)
    norm = jnp.sqrt(jnp.sum(h0 * h0, axis=1, keepdims=True))
    out[...] = h0 / jnp.maximum(norm, 1e-12)


def _dense_tail(partials, e_r_bias, out_norm, wn, wt1, wt2, wht, bih, bhh):
    n, d = e_r_bias.shape
    blk = 2000
    grid = n // blk
    row_spec = pl.BlockSpec((blk, d), lambda i: (i, 0))
    full = lambda a: pl.BlockSpec(a.shape, lambda i: (0,) * a.ndim)
    return pl.pallas_call(
        _dense_body,
        grid=(grid,),
        in_specs=[
            pl.BlockSpec((1, blk, d), lambda i: (0, i, 0)),
            pl.BlockSpec((1, blk, d), lambda i: (1, i, 0)),
            row_spec,
            pl.BlockSpec((blk, 1), lambda i: (i, 0)),
            full(wn), full(wt1), full(wt2), full(wht), full(bih), full(bhh),
        ],
        out_specs=row_spec,
        out_shape=jax.ShapeDtypeStruct((n, d), jnp.float32),
    )(partials, partials, e_r_bias, out_norm, wn, wt1, wt2, wht, bih, bhh)


def kernel(ent_embs, node_id, edge_index, out_norm, rel_embs, e_r_bias, g_idx,
           weight_neighbor, W_ih, W_hh, b_ih, b_hh):
    n, d = ent_embs.shape
    nid = node_id.astype(jnp.int32)
    src_flat = edge_index[0].astype(jnp.int32)
    dst_flat = edge_index[1].astype(jnp.int32)

    acc_rows = ((n + _NS * 8 - 1) // (_NS * 8)) * (_NS * 8)
    zeros_block = jnp.zeros((acc_rows // _NS, d), jnp.float32)
    partials = _edge_segsum(ent_embs, nid, src_flat, dst_flat, zeros_block,
                            acc_rows, d)

    wt = W_ih.T
    out = _dense_tail(
        partials, e_r_bias, out_norm,
        weight_neighbor, wt[:d], wt[d:], W_hh.T,
        b_ih.reshape(1, -1), b_hh.reshape(1, -1))
    return out

# --- scband reference (transcript-rebuilt; emitter-appended) ---
"""Pipeline reference for scband-drlocal-net-79173427135059 (READ-ONLY COPY).

The authoritative reference and input builder live on the scoring server;
editing this copy changes nothing except your own understanding.
"""

import jax, jax.numpy as jnp
import numpy as np

N_NODES = 10000
N_EDGES = 320000
D = 128
N_REL = 500


def setup_inputs(seed: int = 0) -> dict:
    key = jax.random.key(seed)
    ks = jax.random.split(key, 12)
    ent_embs = jax.random.normal(ks[0], (N_NODES, D), dtype=jnp.float32)
    node_id = jax.random.randint(ks[1], (N_NODES,), 0, N_NODES, dtype=jnp.int64 if jax.config.jax_enable_x64 else jnp.int32)
    edge_index = jax.random.randint(ks[2], (2, N_EDGES), 0, N_NODES, dtype=jnp.int64 if jax.config.jax_enable_x64 else jnp.int32)
    out_norm = jax.random.uniform(ks[3], (N_NODES, 1), dtype=jnp.float32)
    rel_embs = jax.random.normal(ks[4], (N_REL, D), dtype=jnp.float32)
    e_r_bias = jax.random.normal(ks[5], (N_NODES, D), dtype=jnp.float32)
    # learned parameters (xavier-ish scale)
    gain = float(np.sqrt(2.0))
    weight_neighbor = jax.random.normal(ks[6], (D, D), dtype=jnp.float32) * (gain * np.sqrt(2.0 / (D + D)))
    W_ih = jax.random.normal(ks[7], (3 * D, 2 * D), dtype=jnp.float32) * (1.0 / np.sqrt(D))
    W_hh = jax.random.normal(ks[8], (3 * D, D), dtype=jnp.float32) * (1.0 / np.sqrt(D))
    b_ih = jnp.zeros((3 * D,), dtype=jnp.float32)
    b_hh = jnp.zeros((3 * D,), dtype=jnp.float32)
    return {
        "ent_embs": ent_embs,
        "node_id": node_id,
        "edge_index": edge_index,
        "out_norm": out_norm,
        "rel_embs": rel_embs,
        "e_r_bias": e_r_bias,
        "g_idx": 0,
        "weight_neighbor": weight_neighbor,
        "W_ih": W_ih,
        "W_hh": W_hh,
        "b_ih": b_ih,
        "b_hh": b_hh,
    }


def _gru_cell(x, h, W_ih, W_hh, b_ih, b_hh):
    # PyTorch nn.GRUCell semantics
    gi = x @ W_ih.T + b_ih
    gh = h @ W_hh.T + b_hh
    i_r, i_z, i_n = jnp.split(gi, 3, axis=1)
    h_r, h_z, h_n = jnp.split(gh, 3, axis=1)
    r = jax.nn.sigmoid(i_r + h_r)
    z = jax.nn.sigmoid(i_z + h_z)
    n = jnp.tanh(i_n + r * h_n)
    return (1.0 - z) * n + z * h


def reference(ent_embs, node_id, edge_index, out_norm, rel_embs, e_r_bias, g_idx, weight_neighbor, W_ih, W_hh, b_ih, b_hh):
    # g.ndata['h'] = ent_embs[node_id]  (gather)
    h = jnp.take(ent_embs, node_id, axis=0)
    src = edge_index[0]
    dst = edge_index[1]
    # msg_func: per-edge gather of src h, then mm with weight_neighbor
    msg = jnp.take(h, src, axis=0) @ weight_neighbor
    # fn.sum(msg, out='e_r_bias'): scatter-add over destination nodes
    agg = jax.ops.segment_sum(msg, dst, num_segments=h.shape[0])
    # apply_func: scale by out_norm
    e_r_bias_new = agg * out_norm
    # concat new bias with old bias
    x = jnp.concatenate([e_r_bias_new, e_r_bias], axis=1)
    # g_idx == 0 path: GRU(input=x, hidden=e_r_bias)
    h0 = _gru_cell(x, e_r_bias, W_ih, W_hh, b_ih, b_hh)
    h0 = jax.nn.relu(h0)  # self.act
    # dropout is identity in eval mode
    # F.normalize: L2 normalize rows with eps=1e-12
    norm = jnp.maximum(jnp.linalg.norm(h0, axis=1, keepdims=True), 1e-12)
    return h0 / norm

if __name__ == "__main__":
    import jax
    _d = setup_inputs()
    print(jax.jit(kernel)(*tuple(_d.values())))

</pallas_src>

<mosaic_0001>
#map = affine_map<(d0, d1) -> (0, 0)>
#map1 = affine_map<(d0, d1) -> (0)>
#map2 = affine_map<(d0, d1) -> (0, 0, 0)>
module attributes {stable_mosaic.version = 14 : i64} {
  func.func @k(%arg0: i32, %arg1: i32, %arg2: memref<10000x128xf32, #tpu.memory_space<hbm>>, %arg3: memref<10000xi32, #tpu.memory_space<hbm>>, %arg4: memref<320000xi32, #tpu.memory_space<hbm>>, %arg5: memref<320000xi32, #tpu.memory_space<hbm>>, %arg6: memref<632x128xf32, #tpu.memory_space<hbm>>, %arg7: memref<2x10112x128xf32, #tpu.memory_space<hbm>>, %arg8: memref<10000xi32, #tpu.memory_space<vmem>>, %arg9: memref<64xi32, #tpu.memory_space<vmem>>, %arg10: memref<64xi32, #tpu.memory_space<vmem>>, %arg11: memref<64xi32, #tpu.memory_space<vmem>>, %arg12: memref<64xi32, #tpu.memory_space<vmem>>, %arg13: memref<64xi32, #tpu.memory_space<vmem>>, %arg14: memref<64xi32, #tpu.memory_space<vmem>>, %arg15: memref<64xi32, #tpu.memory_space<vmem>>, %arg16: memref<64xi32, #tpu.memory_space<vmem>>, %arg17: memref<64xi32, #tpu.memory_space<vmem>>, %arg18: memref<64xi32, #tpu.memory_space<vmem>>, %arg19: memref<64xi32, #tpu.memory_space<vmem>>, %arg20: memref<64xi32, #tpu.memory_space<vmem>>, %arg21: memref<64xi32, #tpu.memory_space<vmem>>, %arg22: memref<64xi32, #tpu.memory_space<vmem>>, %arg23: memref<64xi32, #tpu.memory_space<vmem>>, %arg24: memref<64xi32, #tpu.memory_space<vmem>>, %arg25: memref<64x128xf32, #tpu.memory_space<vmem>>, %arg26: memref<64x128xf32, #tpu.memory_space<vmem>>, %arg27: memref<64x128xf32, #tpu.memory_space<vmem>>, %arg28: memref<64x128xf32, #tpu.memory_space<vmem>>, %arg29: memref<16xi32, #tpu.memory_space<vmem>>, %arg30: memref<16xi32, #tpu.memory_space<vmem>>, %arg31: memref<16xi32, #tpu.memory_space<vmem>>, %arg32: memref<16x128xf32, #tpu.memory_space<vmem>>, %arg33: memref<10112x128xf32, #tpu.memory_space<vmem_shared>>, %arg34: memref<!tpu.dma_semaphore, #tpu.memory_space<semaphore_mem>>, %arg35: memref<!tpu.dma_semaphore, #tpu.memory_space<semaphore_mem>>, %arg36: memref<!tpu.dma_semaphore, #tpu.memory_space<semaphore_mem>>, %arg37: memref<!tpu.dma_semaphore, #tpu.memory_space<semaphore_mem>>, %arg38: memref<!tpu.dma_semaphore, #tpu.memory_space<semaphore_mem>>, %arg39: memref<!tpu.dma_semaphore, #tpu.memory_space<semaphore_mem>>, %arg40: memref<!tpu.dma_semaphore, #tpu.memory_space<semaphore_mem>>, %arg41: memref<!tpu.dma_semaphore, #tpu.memory_space<semaphore_mem>>, %arg42: memref<!tpu.dma_semaphore, #tpu.memory_space<semaphore_mem>>, %arg43: memref<!tpu.dma_semaphore, #tpu.memory_space<semaphore_mem>>, %arg44: memref<!tpu.dma_semaphore, #tpu.memory_space<semaphore_mem>>, %arg45: memref<!tpu.dma_semaphore, #tpu.memory_space<semaphore_mem>>) attributes {dimension_semantics = [#tpu.dimension_semantics<core_parallel>, #tpu.dimension_semantics<subcore_parallel>], iteration_bounds = array<i64: 2, 16>, scalar_prefetch = 0 : i64, scratch_operands = 38 : i64, tpu.core_type = #tpu.core_type<sc_vector_subcore>, window_params = [{transform_indices = #map}, {transform_indices = #map1}, {transform_indices = #map1}, {transform_indices = #map1}, {transform_indices = #map}, {transform_indices = #map2}]} {
    %mul3A = arith.constant 16 : i32
    %mul3A_0 = arith.muli %arg0, %mul3A : i32
    %add3A = arith.addi %mul3A_0, %arg1 : i32
    %mul3A_1 = arith.constant 10000 : i32
    %mul3A_2 = arith.muli %add3A, %mul3A_1 : i32
    %mul3A_3 = arith.constant 632 : i32
    %mul3A_4 = arith.muli %arg1, %mul3A_3 : i32
    "tpu.region"() ({
      %run_scoped3A = tpu.sem_alloc : memref<!tpu.dma_semaphore, #tpu.memory_space<semaphore_mem>>
      %dma_start3A_153 = arith.constant 0 : i32
      %dma_start3A_154 = tpu.memref_slice %arg33[%mul3A_4, %dma_start3A_153] : memref<10112x128xf32, #tpu.memory_space<vmem_shared>> -> memref<632x128xf32, #tpu.memory_space<vmem_shared>>
      tpu.enqueue_dma source(%arg6 : memref<632x128xf32, #tpu.memory_space<hbm>>) target(%dma_start3A_154 : memref<632x128xf32, #tpu.memory_space<vmem_shared>>) target_semaphore(%run_scoped3A : memref<!tpu.dma_semaphore, #tpu.memory_space<semaphore_mem>>)
      %dma_wait3A_155 = arith.constant 0 : i32
      %dma_wait3A_156 = tpu.memref_slice %arg33[%mul3A_4, %dma_wait3A_155] : memref<10112x128xf32, #tpu.memory_space<vmem_shared>> -> memref<632x128xf32, #tpu.memory_space<vmem_shared>>
      tpu.wait_dma2 semaphore(%run_scoped3A : memref<!tpu.dma_semaphore, #tpu.memory_space<semaphore_mem>>) src(%arg6 : memref<632x128xf32, #tpu.memory_space<hbm>>) dst(%dma_wait3A_156 : memref<632x128xf32, #tpu.memory_space<vmem_shared>>)
      tpu.yield
    }) : () -> ()
    "tpu.region"() ({
      %run_scoped3A = tpu.sem_alloc : memref<!tpu.dma_semaphore, #tpu.memory_space<semaphore_mem>>
      tpu.enqueue_dma source(%arg3 : memref<10000xi32, #tpu.memory_space<hbm>>) target(%arg8 : memref<10000xi32, #tpu.memory_space<vmem>>) target_semaphore(%run_scoped3A : memref<!tpu.dma_semaphore, #tpu.memory_space<semaphore_mem>>)
      tpu.wait_dma2 semaphore(%run_scoped3A : memref<!tpu.dma_semaphore, #tpu.memory_space<semaphore_mem>>) src(%arg3 : memref<10000xi32, #tpu.memory_space<hbm>>) dst(%arg8 : memref<10000xi32, #tpu.memory_space<vmem>>)
      tpu.yield
    }) : () -> ()
    %add3A_5 = arith.constant 0 : i32
    %add3A_6 = arith.addi %mul3A_2, %add3A_5 : i32
    %dma_start3A = tpu.memref_slice %arg4[%add3A_6] : memref<320000xi32, #tpu.memory_space<hbm>> -> memref<64xi32, #tpu.memory_space<hbm>>
    %dma_start3A_7 = tpu.memref_slice %arg4[%add3A_6] : memref<320000xi32, #tpu.memory_space<hbm>> -> memref<64xi32, #tpu.memory_space<hbm>>
    tpu.enqueue_dma source(%dma_start3A_7 : memref<64xi32, #tpu.memory_space<hbm>>) target(%arg9 : memref<64xi32, #tpu.memory_space<vmem>>) target_semaphore(%arg34 : memref<!tpu.dma_semaphore, #tpu.memory_space<semaphore_mem>>)
    %dma_start3A_8 = tpu.memref_slice %arg5[%add3A_6] : memref<320000xi32, #tpu.memory_space<hbm>> -> memref<64xi32, #tpu.memory_space<hbm>>
    %dma_start3A_9 = tpu.memref_slice %arg5[%add3A_6] : memref<320000xi32, #tpu.memory_space<hbm>> -> memref<64xi32, #tpu.memory_space<hbm>>
    tpu.enqueue_dma source(%dma_start3A_9 : memref<64xi32, #tpu.memory_space<hbm>>) target(%arg13 : memref<64xi32, #tpu.memory_space<vmem>>) target_semaphore(%arg34 : memref<!tpu.dma_semaphore, #tpu.memory_space<semaphore_mem>>)
    %add3A_10 = arith.constant 64 : i32
    %add3A_11 = arith.addi %mul3A_2, %add3A_10 : i32
    %dma_start3A_12 = tpu.memref_slice %arg4[%add3A_11] : memref<320000xi32, #tpu.memory_space<hbm>> -> memref<64xi32, #tpu.memory_space<hbm>>
    %dma_start3A_13 = tpu.memref_slice %arg4[%add3A_11] : memref<320000xi32, #tpu.memory_space<hbm>> -> memref<64xi32, #tpu.memory_space<hbm>>
    tpu.enqueue_dma source(%dma_start3A_13 : memref<64xi32, #tpu.memory_space<hbm>>) target(%arg10 : memref<64xi32, #tpu.memory_space<vmem>>) target_semaphore(%arg35 : memref<!tpu.dma_semaphore, #tpu.memory_space<semaphore_mem>>)
    %dma_start3A_14 = tpu.memref_slice %arg5[%add3A_11] : memref<320000xi32, #tpu.memory_space<hbm>> -> memref<64xi32, #tpu.memory_space<hbm>>
    %dma_start3A_15 = tpu.memref_slice %arg5[%add3A_11] : memref<320000xi32, #tpu.memory_space<hbm>> -> memref<64xi32, #tpu.memory_space<hbm>>
    tpu.enqueue_dma source(%dma_start3A_15 : memref<64xi32, #tpu.memory_space<hbm>>) target(%arg14 : memref<64xi32, #tpu.memory_space<vmem>>) target_semaphore(%arg35 : memref<!tpu.dma_semaphore, #tpu.memory_space<semaphore_mem>>)
    %add3A_16 = arith.constant 128 : i32
    %add3A_17 = arith.addi %mul3A_2, %add3A_16 : i32
    %dma_start3A_18 = tpu.memref_slice %arg4[%add3A_17] : memref<320000xi32, #tpu.memory_space<hbm>> -> memref<64xi32, #tpu.memory_space<hbm>>
    %dma_start3A_19 = tpu.memref_slice %arg4[%add3A_17] : memref<320000xi32, #tpu.memory_space<hbm>> -> memref<64xi32, #tpu.memory_space<hbm>>
    tpu.enqueue_dma source(%dma_start3A_19 : memref<64xi32, #tpu.memory_space<hbm>>) target(%arg11 : memref<64xi32, #tpu.memory_space<vmem>>) target_semaphore(%arg36 : memref<!tpu.dma_semaphore, #tpu.memory_space<semaphore_mem>>)
    %dma_start3A_20 = tpu.memref_slice %arg5[%add3A_17] : memref<320000xi32, #tpu.memory_space<hbm>> -> memref<64xi32, #tpu.memory_space<hbm>>
    %dma_start3A_21 = tpu.memref_slice %arg5[%add3A_17] : memref<320000xi32, #tpu.memory_space<hbm>> -> memref<64xi32, #tpu.memory_space<hbm>>
    tpu.enqueue_dma source(%dma_start3A_21 : memref<64xi32, #tpu.memory_space<hbm>>) target(%arg15 : memref<64xi32, #tpu.memory_space<vmem>>) target_semaphore(%arg36 : memref<!tpu.dma_semaphore, #tpu.memory_space<semaphore_mem>>)
    %add3A_22 = arith.constant 192 : i32
    %add3A_23 = arith.addi %mul3A_2, %add3A_22 : i32
    %dma_start3A_24 = tpu.memref_slice %arg4[%add3A_23] : memref<320000xi32, #tpu.memory_space<hbm>> -> memref<64xi32, #tpu.memory_space<hbm>>
    %dma_start3A_25 = tpu.memref_slice %arg4[%add3A_23] : memref<320000xi32, #tpu.memory_space<hbm>> -> memref<64xi32, #tpu.memory_space<hbm>>
    tpu.enqueue_dma source(%dma_start3A_25 : memref<64xi32, #tpu.memory_space<hbm>>) target(%arg12 : memref<64xi32, #tpu.memory_space<vmem>>) target_semaphore(%arg37 : memref<!tpu.dma_semaphore, #tpu.memory_space<semaphore_mem>>)
    %dma_start3A_26 = tpu.memref_slice %arg5[%add3A_23] : memref<320000xi32, #tpu.memory_space<hbm>> -> memref<64xi32, #tpu.memory_space<hbm>>
    %dma_start3A_27 = tpu.memref_slice %arg5[%add3A_23] : memref<320000xi32, #tpu.memory_space<hbm>> -> memref<64xi32, #tpu.memory_space<hbm>>
    tpu.enqueue_dma source(%dma_start3A_27 : memref<64xi32, #tpu.memory_space<hbm>>) target(%arg16 : memref<64xi32, #tpu.memory_space<vmem>>) target_semaphore(%arg37 : memref<!tpu.dma_semaphore, #tpu.memory_space<semaphore_mem>>)
    %add3A_28 = arith.constant 0 : i32
    %add3A_29 = arith.addi %mul3A_2, %add3A_28 : i32
    %add3A_30 = arith.constant 0 : i32
    %add3A_31 = arith.addi %mul3A_2, %add3A_30 : i32
    %dma_wait3A = tpu.memref_slice %arg4[%add3A_29] : memref<320000xi32, #tpu.memory_space<hbm>> -> memref<64xi32, #tpu.memory_space<hbm>>
    %dma_wait3A_32 = tpu.memref_slice %arg4[%add3A_29] : memref<320000xi32, #tpu.memory_space<hbm>> -> memref<64xi32, #tpu.memory_space<hbm>>
    tpu.wait_dma2 semaphore(%arg34 : memref<!tpu.dma_semaphore, #tpu.memory_space<semaphore_mem>>) src(%dma_wait3A_32 : memref<64xi32, #tpu.memory_space<hbm>>) dst(%arg9 : memref<64xi32, #tpu.memory_space<vmem>>)
    %dma_wait3A_33 = tpu.memref_slice %arg5[%add3A_31] : memref<320000xi32, #tpu.memory_space<hbm>> -> memref<64xi32, #tpu.memory_space<hbm>>
    %dma_wait3A_34 = tpu.memref_slice %arg5[%add3A_31] : memref<320000xi32, #tpu.memory_space<hbm>> -> memref<64xi32, #tpu.memory_space<hbm>>
    tpu.wait_dma2 semaphore(%arg34 : memref<!tpu.dma_semaphore, #tpu.memory_space<semaphore_mem>>) src(%dma_wait3A_34 : memref<64xi32, #tpu.memory_space<hbm>>) dst(%arg13 : memref<64xi32, #tpu.memory_space<vmem>>)
    %get3A = arith.constant 0 : index
    %get3A_35 = tpu.vector_load %arg9[%get3A] {strides = array<i32>} : memref<64xi32, #tpu.memory_space<vmem>>, vector<16xi32>,
    %gather3A = tpu.vector_load_idx %arg8[%get3A_35] : memref<10000xi32, #tpu.memory_space<vmem>>[vector<16xi32>], vector<16xi32>,
    %swap3A = arith.constant 0 : index
    %swap3A_36 = tpu.vector_load %arg17[%swap3A] {strides = array<i32>} : memref<64xi32, #tpu.memory_space<vmem>>, vector<16xi32>,
    tpu.vector_store %arg17[%swap3A], %gather3A {strides = array<i32>} : memref<64xi32, #tpu.memory_space<vmem>>, vector<16xi32>,
    %get3A_37 = arith.constant 0 : index
    %get3A_38 = tpu.vector_load %arg13[%get3A_37] {strides = array<i32>} : memref<64xi32, #tpu.memory_space<vmem>>, vector<16xi32>,
    %swap3A_39 = arith.constant 0 : index
    %swap3A_40 = tpu.vector_load %arg21[%swap3A_39] {strides = array<i32>} : memref<64xi32, #tpu.memory_space<vmem>>, vector<16xi32>,
    tpu.vector_store %arg21[%swap3A_39], %get3A_38 {strides = array<i32>} : memref<64xi32, #tpu.memory_space<vmem>>, vector<16xi32>,
    %get3A_41 = arith.constant 16 : index
    %get3A_42 = tpu.vector_load %arg9[%get3A_41] {strides = array<i32>} : memref<64xi32, #tpu.memory_space<vmem>>, vector<16xi32>,
    %gather3A_43 = tpu.vector_load_idx %arg8[%get3A_42] : memref<10000xi32, #tpu.memory_space<vmem>>[vector<16xi32>], vector<16xi32>,
    %swap3A_44 = arith.constant 16 : index
    %swap3A_45 = tpu.vector_load %arg17[%swap3A_44] {strides = array<i32>} : memref<64xi32, #tpu.memory_space<vmem>>, vector<16xi32>,
    tpu.vector_store %arg17[%swap3A_44], %gather3A_43 {strides = array<i32>} : memref<64xi32, #tpu.memory_space<vmem>>, vector<16xi32>,
    %get3A_46 = arith.constant 16 : index
    %get3A_47 = tpu.vector_load %arg13[%get3A_46] {strides = array<i32>} : memref<64xi32, #tpu.memory_space<vmem>>, vector<16xi32>,
    %swap3A_48 = arith.constant 16 : index
    %swap3A_49 = tpu.vector_load %arg21[%swap3A_48] {strides = array<i32>} : memref<64xi32, #tpu.memory_space<vmem>>, vector<16xi32>,
    tpu.vector_store %arg21[%swap3A_48], %get3A_47 {strides = array<i32>} : memref<64xi32, #tpu.memory_space<vmem>>, vector<16xi32>,
    %get3A_50 = arith.constant 32 : index
    %get3A_51 = tpu.vector_load %arg9[%get3A_50] {strides = array<i32>} : memref<64xi32, #tpu.memory_space<vmem>>, vector<16xi32>,
    %gather3A_52 = tpu.vector_load_idx %arg8[%get3A_51] : memref<10000xi32, #tpu.memory_space<vmem>>[vector<16xi32>], vector<16xi32>,
    %swap3A_53 = arith.constant 32 : index
    %swap3A_54 = tpu.vector_load %arg17[%swap3A_53] {strides = array<i32>} : memref<64xi32, #tpu.memory_space<vmem>>, vector<16xi32>,
    tpu.vector_store %arg17[%swap3A_53], %gather3A_52 {strides = array<i32>} : memref<64xi32, #tpu.memory_space<vmem>>, vector<16xi32>,
    %get3A_55 = arith.constant 32 : index
    %get3A_56 = tpu.vector_load %arg13[%get3A_55] {strides = array<i32>} : memref<64xi32, #tpu.memory_space<vmem>>, vector<16xi32>,
    %swap3A_57 = arith.constant 32 : index
    %swap3A_58 = tpu.vector_load %arg21[%swap3A_57] {strides = array<i32>} : memref<64xi32, #tpu.memory_space<vmem>>, vector<16xi32>,
    tpu.vector_store %arg21[%swap3A_57], %get3A_56 {strides = array<i32>} : memref<64xi32, #tpu.memory_space<vmem>>, vector<16xi32>,
    %get3A_59 = arith.constant 48 : index
    %get3A_60 = tpu.vector_load %arg9[%get3A_59] {strides = array<i32>} : memref<64xi32, #tpu.memory_space<vmem>>, vector<16xi32>,
    %gather3A_61 = tpu.vector_load_idx %arg8[%get3A_60] : memref<10000xi32, #tpu.memory_space<vmem>>[vector<16xi32>], vector<16xi32>,
    %swap3A_62 = arith.constant 48 : index
    %swap3A_63 = tpu.vector_load %arg17[%swap3A_62] {strides = array<i32>} : memref<64xi32, #tpu.memory_space<vmem>>, vector<16xi32>,
    tpu.vector_store %arg17[%swap3A_62], %gather3A_61 {strides = array<i32>} : memref<64xi32, #tpu.memory_space<vmem>>, vector<16xi32>,
    %get3A_64 = arith.constant 48 : index
    %get3A_65 = tpu.vector_load %arg13[%get3A_64] {strides = array<i32>} : memref<64xi32, #tpu.memory_space<vmem>>, vector<16xi32>,
    %swap3A_66 = arith.constant 48 : index
    %swap3A_67 = tpu.vector_load %arg21[%swap3A_66] {strides = array<i32>} : memref<64xi32, #tpu.memory_space<vmem>>, vector<16xi32>,
    tpu.vector_store %arg21[%swap3A_66], %get3A_65 {strides = array<i32>} : memref<64xi32, #tpu.memory_space<vmem>>, vector<16xi32>,
    %dma_start3A_68 = arith.constant 0 : i32
    %dma_start3A_69 = arith.constant 0 : i32
    %dma_start3A_70 = tpu.memref_slice %arg2[%dma_start3A_68, %dma_start3A_69] : memref<10000x128xf32, #tpu.memory_space<hbm>> -> memref<10000x128xf32, #tpu.memory_space<hbm>>
    tpu.enqueue_indirect_dma source(%dma_start3A_70 : memref<10000x128xf32, #tpu.memory_space<hbm>>) target(%arg25 : memref<64x128xf32, #tpu.memory_space<vmem>>) offsets(%arg17 : memref<64xi32, #tpu.memory_space<vmem>>) semaphore(%arg38 : memref<!tpu.dma_semaphore, #tpu.memory_space<semaphore_mem>>)
    %add3A_71 = arith.constant 64 : i32
    %add3A_72 = arith.addi %mul3A_2, %add3A_71 : i32
    %add3A_73 = arith.constant 64 : i32
    %add3A_74 = arith.addi %mul3A_2, %add3A_73 : i32
    %dma_wait3A_75 = tpu.memref_slice %arg4[%add3A_72] : memref<320000xi32, #tpu.memory_space<hbm>> -> memref<64xi32, #tpu.memory_space<hbm>>
    %dma_wait3A_76 = tpu.memref_slice %arg4[%add3A_72] : memref<320000xi32, #tpu.memory_space<hbm>> -> memref<64xi32, #tpu.memory_space<hbm>>
    tpu.wait_dma2 semaphore(%arg35 : memref<!tpu.dma_semaphore, #tpu.memory_space<semaphore_mem>>) src(%dma_wait3A_76 : memref<64xi32, #tpu.memory_space<hbm>>) dst(%arg10 : memref<64xi32, #tpu.memory_space<vmem>>)
    %dma_wait3A_77 = tpu.memref_slice %arg5[%add3A_74] : memref<320000xi32, #tpu.memory_space<hbm>> -> memref<64xi32, #tpu.memory_space<hbm>>
    %dma_wait3A_78 = tpu.memref_slice %arg5[%add3A_74] : memref<320000xi32, #tpu.memory_space<hbm>> -> memref<64xi32, #tpu.memory_space<hbm>>
    tpu.wait_dma2 semaphore(%arg35 : memref<!tpu.dma_semaphore, #tpu.memory_space<semaphore_mem>>) src(%dma_wait3A_78 : memref<64xi32, #tpu.memory_space<hbm>>) dst(%arg14 : memref<64xi32, #tpu.memory_space<vmem>>)
    %get3A_79 = arith.constant 0 : index
    %get3A_80 = tpu.vector_load %arg10[%get3A_79] {strides = array<i32>} : memref<64xi32, #tpu.memory_space<vmem>>, vector<16xi32>,
    %gather3A_81 = tpu.vector_load_idx %arg8[%get3A_80] : memref<10000xi32, #tpu.memory_space<vmem>>[vector<16xi32>], vector<16xi32>,
    %swap3A_82 = arith.constant 0 : index
    %swap3A_83 = tpu.vector_load %arg18[%swap3A_82] {strides = array<i32>} : memref<64xi32, #tpu.memory_space<vmem>>, vector<16xi32>,
    tpu.vector_store %arg18[%swap3A_82], %gather3A_81 {strides = array<i32>} : memref<64xi32, #tpu.memory_space<vmem>>, vector<16xi32>,
    %get3A_84 = arith.constant 0 : index
    %get3A_85 = tpu.vector_load %arg14[%get3A_84] {strides = array<i32>} : memref<64xi32, #tpu.memory_space<vmem>>, vector<16xi32>,
    %swap3A_86 = arith.constant 0 : index
    %swap3A_87 = tpu.vector_load %arg22[%swap3A_86] {strides = array<i32>} : memref<64xi32, #tpu.memory_space<vmem>>, vector<16xi32>,
    tpu.vector_store %arg22[%swap3A_86], %get3A_85 {strides = array<i32>} : memref<64xi32, #tpu.memory_space<vmem>>, vector<16xi32>,
    %get3A_88 = arith.constant 16 : index
    %get3A_89 = tpu.vector_load %arg10[%get3A_88] {strides = array<i32>} : memref<64xi32, #tpu.memory_space<vmem>>, vector<16xi32>,
    %gather3A_90 = tpu.vector_load_idx %arg8[%get3A_89] : memref<10000xi32, #tpu.memory_space<vmem>>[vector<16xi32>], vector<16xi32>,
    %swap3A_91 = arith.constant 16 : index
    %swap3A_92 = tpu.vector_load %arg18[%swap3A_91] {strides = array<i32>} : memref<64xi32, #tpu.memory_space<vmem>>, vector<16xi32>,
    tpu.vector_store %arg18[%swap3A_91], %gather3A_90 {strides = array<i32>} : memref<64xi32, #tpu.memory_space<vmem>>, vector<16xi32>,
    %get3A_93 = arith.constant 16 : index
    %get3A_94 = tpu.vector_load %arg14[%get3A_93] {strides = array<i32>} : memref<64xi32, #tpu.memory_space<vmem>>, vector<16xi32>,
    %swap3A_95 = arith.constant 16 : index
    %swap3A_96 = tpu.vector_load %arg22[%swap3A_95] {strides = array<i32>} : memref<64xi32, #tpu.memory_space<vmem>>, vector<16xi32>,
    tpu.vector_store %arg22[%swap3A_95], %get3A_94 {strides = array<i32>} : memref<64xi32, #tpu.memory_space<vmem>>, vector<16xi32>,
    %get3A_97 = arith.constant 32 : index
    %get3A_98 = tpu.vector_load %arg10[%get3A_97] {strides = array<i32>} : memref<64xi32, #tpu.memory_space<vmem>>, vector<16xi32>,
    %gather3A_99 = tpu.vector_load_idx %arg8[%get3A_98] : memref<10000xi32, #tpu.memory_space<vmem>>[vector<16xi32>], vector<16xi32>,
    %swap3A_100 = arith.constant 32 : index
    %swap3A_101 = tpu.vector_load %arg18[%swap3A_100] {strides = array<i32>} : memref<64xi32, #tpu.memory_space<vmem>>, vector<16xi32>,
    tpu.vector_store %arg18[%swap3A_100], %gather3A_99 {strides = array<i32>} : memref<64xi32, #tpu.memory_space<vmem>>, vector<16xi32>,
    %get3A_102 = arith.constant 32 : index
    %get3A_103 = tpu.vector_load %arg14[%get3A_102] {strides = array<i32>} : memref<64xi32, #tpu.memory_space<vmem>>, vector<16xi32>,
    %swap3A_104 = arith.constant 32 : index
    %swap3A_105 = tpu.vector_load %arg22[%swap3A_104] {strides = array<i32>} : memref<64xi32, #tpu.memory_space<vmem>>, vector<16xi32>,
    tpu.vector_store %arg22[%swap3A_104], %get3A_103 {strides = array<i32>} : memref<64xi32, #tpu.memory_space<vmem>>, vector<16xi32>,
    %get3A_106 = arith.constant 48 : index
    %get3A_107 = tpu.vector_load %arg10[%get3A_106] {strides = array<i32>} : memref<64xi32, #tpu.memory_space<vmem>>, vector<16xi32>,
    %gather3A_108 = tpu.vector_load_idx %arg8[%get3A_107] : memref<10000xi32, #tpu.memory_space<vmem>>[vector<16xi32>], vector<16xi32>,
    %swap3A_109 = arith.constant 48 : index
    %swap3A_110 = tpu.vector_load %arg18[%swap3A_109] {strides = array<i32>} : memref<64xi32, #tpu.memory_space<vmem>>, vector<16xi32>,
    tpu.vector_store %arg18[%swap3A_109], %gather3A_108 {strides = array<i32>} : memref<64xi32, #tpu.memory_space<vmem>>, vector<16xi32>,
    %get3A_111 = arith.constant 48 : index
    %get3A_112 = tpu.vector_load %arg14[%get3A_111] {strides = array<i32>} : memref<64xi32, #tpu.memory_space<vmem>>, vector<16xi32>,
    %swap3A_113 = arith.constant 48 : index
    %swap3A_114 = tpu.vector_load %arg22[%swap3A_113] {strides = array<i32>} : memref<64xi32, #tpu.memory_space<vmem>>, vector<16xi32>,
    tpu.vector_store %arg22[%swap3A_113], %get3A_112 {strides = array<i32>} : memref<64xi32, #tpu.memory_space<vmem>>, vector<16xi32>,
    %dma_start3A_115 = arith.constant 0 : i32
    %dma_start3A_116 = arith.constant 0 : i32
    %dma_start3A_117 = tpu.memref_slice %arg2[%dma_start3A_115, %dma_start3A_116] : memref<10000x128xf32, #tpu.memory_space<hbm>> -> memref<10000x128xf32, #tpu.memory_space<hbm>>
    tpu.enqueue_indirect_dma source(%dma_start3A_117 : memref<10000x128xf32, #tpu.memory_space<hbm>>) target(%arg26 : memref<64x128xf32, #tpu.memory_space<vmem>>) offsets(%arg18 : memref<64xi32, #tpu.memory_space<vmem>>) semaphore(%arg39 : memref<!tpu.dma_semaphore, #tpu.memory_space<semaphore_mem>>)
    %barrier3A = arith.constant 0 : index
    tpu.barrier barrier_id(%barrier3A)
    %scan3A = arith.constant 0 : i32
    %scan3A_118 = arith.constant 0 : i32
    %scan3A_119 = arith.constant 39 : i32
    %scan3A_120 = arith.addi %scan3A_118, %scan3A_119 : i32
    %scan3A_121 = arith.constant 1 : i32
    scf.for %scan3A_153 = %scan3A_118 to %scan3A_120 step %scan3A_121  : i32 {
      %mul3A_154 = arith.constant 4 : i32
      %mul3A_155 = arith.muli %scan3A_153, %mul3A_154 : i32
      %add3A_156 = arith.constant 0 : i32
      %add3A_157 = arith.addi %mul3A_155, %add3A_156 : i32
      %dma_wait3A_158 = arith.constant 0 : i32
      %dma_wait3A_159 = arith.constant 0 : i32
      %dma_wait3A_160 = tpu.memref_slice %arg2[%dma_wait3A_158, %dma_wait3A_159] : memref<10000x128xf32, #tpu.memory_space<hbm>> -> memref<10000x128xf32, #tpu.memory_space<hbm>>
      tpu.wait_indirect_dma semaphore(%arg38 : memref<!tpu.dma_semaphore, #tpu.memory_space<semaphore_mem>>) src(%dma_wait3A_160 : memref<10000x128xf32, #tpu.memory_space<hbm>>) dst(%arg25 : memref<64x128xf32, #tpu.memory_space<vmem>>)
      %dma_start3A_161 = arith.constant 0 : i32
      %dma_start3A_162 = arith.constant 0 : i32
      %dma_start3A_163 = tpu.memref_slice %arg33[%dma_start3A_161, %dma_start3A_162] : memref<10112x128xf32, #tpu.memory_space<vmem_shared>> -> memref<10112x128xf32, #tpu.memory_space<vmem_shared>>
      tpu.enqueue_indirect_dma source(%arg25 : memref<64x128xf32, #tpu.memory_space<vmem>>) target(%dma_start3A_163 : memref<10112x128xf32, #tpu.memory_space<vmem_shared>>) offsets(%arg21 : memref<64xi32, #tpu.memory_space<vmem>>) semaphore(%arg42 : memref<!tpu.dma_semaphore, #tpu.memory_space<semaphore_mem>>) {add = true}
      %add3A_164 = arith.constant 2 : i32
      %add3A_165 = arith.addi %add3A_157, %add3A_164 : i32
      %lt3A = arith.constant 156 : i32
      %lt3A_166 = arith.cmpi slt, %add3A_165, %lt3A : i32
      %convert_element_type3A = arith.extui %lt3A_166 : i1 to i32
      %cond3A = arith.constant 0 : i32
      %cond3A_167 = arith.cmpi ne, %convert_element_type3A, %cond3A : i32
      scf.if %cond3A_167 {
        %ge3A = arith.constant 4 : i32
        %ge3A_247 = arith.cmpi sge, %add3A_165, %ge3A : i32
        %convert_element_type3A_248 = arith.extui %ge3A_247 : i1 to i32
        %cond3A_249 = arith.constant 0 : i32
        %cond3A_250 = arith.cmpi ne, %convert_element_type3A_248, %cond3A_249 : i32
        scf.if %cond3A_250 {
          %dma_wait3A_300 = arith.constant 0 : i32
          %dma_wait3A_301 = arith.constant 0 : i32
          %dma_wait3A_302 = tpu.memref_slice %arg33[%dma_wait3A_300, %dma_wait3A_301] : memref<10112x128xf32, #tpu.memory_space<vmem_shared>> -> memref<10112x128xf32, #tpu.memory_space<vmem_shared>>
          tpu.wait_indirect_dma semaphore(%arg44 : memref<!tpu.dma_semaphore, #tpu.memory_space<semaphore_mem>>) src(%arg27 : memref<64x128xf32, #tpu.memory_space<vmem>>) dst(%dma_wait3A_302 : memref<10112x128xf32, #tpu.memory_space<vmem_shared>>)
        } else {
        }
        %mul3A_251 = arith.constant 64 : i32
        %mul3A_252 = arith.muli %add3A_165, %mul3A_251 : i32
        %add3A_253 = arith.addi %mul3A_2, %mul3A_252 : i32
        %mul3A_254 = arith.constant 64 : i32
        %mul3A_255 = arith.muli %add3A_165, %mul3A_254 : i32
        %add3A_256 = arith.addi %mul3A_2, %mul3A_255 : i32
        %dma_wait3A_257 = tpu.memref_slice %arg4[%add3A_253] : memref<320000xi32, #tpu.memory_space<hbm>> -> memref<64xi32, #tpu.memory_space<hbm>>
        %dma_wait3A_258 = tpu.memref_slice %arg4[%add3A_253] : memref<320000xi32, #tpu.memory_space<hbm>> -> memref<64xi32, #tpu.memory_space<hbm>>
        tpu.wait_dma2 semaphore(%arg36 : memref<!tpu.dma_semaphore, #tpu.memory_space<semaphore_mem>>) src(%dma_wait3A_258 : memref<64xi32, #tpu.memory_space<hbm>>) dst(%arg11 : memref<64xi32, #tpu.memory_space<vmem>>)
        %dma_wait3A_259 = tpu.memref_slice %arg5[%add3A_256] : memref<320000xi32, #tpu.memory_space<hbm>> -> memref<64xi32, #tpu.memory_space<hbm>>
        %dma_wait3A_260 = tpu.memref_slice %arg5[%add3A_256] : memref<320000xi32, #tpu.memory_space<hbm>> -> memref<64xi32, #tpu.memory_space<hbm>>
        tpu.wait_dma2 semaphore(%arg36 : memref<!tpu.dma_semaphore, #tpu.memory_space<semaphore_mem>>) src(%dma_wait3A_260 : memref<64xi32, #tpu.memory_space<hbm>>) dst(%arg15 : memref<64xi32, #tpu.memory_space<vmem>>)
        %get3A_261 = arith.constant 0 : index
        %get3A_262 = tpu.vector_load %arg11[%get3A_261] {strides = array<i32>} : memref<64xi32, #tpu.memory_space<vmem>>, vector<16xi32>,
        %gather3A_263 = tpu.vector_load_idx %arg8[%get3A_262] : memref<10000xi32, #tpu.memory_space<vmem>>[vector<16xi32>], vector<16xi32>,
        %swap3A_264 = arith.constant 0 : index
        %swap3A_265 = tpu.vector_load %arg19[%swap3A_264] {strides = array<i32>} : memref<64xi32, #tpu.memory_space<vmem>>, vector<16xi32>,
        tpu.vector_store %arg19[%swap3A_264], %gather3A_263 {strides = array<i32>} : memref<64xi32, #tpu.memory_space<vmem>>, vector<16xi32>,
        %get3A_266 = arith.constant 0 : index
        %get3A_267 = tpu.vector_load %arg15[%get3A_266] {strides = array<i32>} : memref<64xi32, #tpu.memory_space<vmem>>, vector<16xi32>,
        %swap3A_268 = arith.constant 0 : index
        %swap3A_269 = tpu.vector_load %arg23[%swap3A_268] {strides = array<i32>} : memref<64xi32, #tpu.memory_space<vmem>>, vector<16xi32>,
        tpu.vector_store %arg23[%swap3A_268], %get3A_267 {strides = array<i32>} : memref<64xi32, #tpu.memory_space<vmem>>, vector<16xi32>,
        %get3A_270 = arith.constant 16 : index
        %get3A_271 = tpu.vector_load %arg11[%get3A_270] {strides = array<i32>} : memref<64xi32, #tpu.memory_space<vmem>>, vector<16xi32>,
        %gather3A_272 = tpu.vector_load_idx %arg8[%get3A_271] : memref<10000xi32, #tpu.memory_space<vmem>>[vector<16xi32>], vector<16xi32>,
        %swap3A_273 = arith.constant 16 : index
        %swap3A_274 = tpu.vector_load %arg19[%swap3A_273] {strides = array<i32>} : memref<64xi32, #tpu.memory_space<vmem>>, vector<16xi32>,
        tpu.vector_store %arg19[%swap3A_273], %gather3A_272 {strides = array<i32>} : memref<64xi32, #tpu.memory_space<vmem>>, vector<16xi32>,
        %get3A_275 = arith.constant 16 : index
        %get3A_276 = tpu.vector_load %arg15[%get3A_275] {strides = array<i32>} : memref<64xi32, #tpu.memory_space<vmem>>, vector<16xi32>,
        %swap3A_277 = arith.constant 16 : index
        %swap3A_278 = tpu.vector_load %arg23[%swap3A_277] {strides = array<i32>} : memref<64xi32, #tpu.memory_space<vmem>>, vector<16xi32>,
        tpu.vector_store %arg23[%swap3A_277], %get3A_276 {strides = array<i32>} : memref<64xi32, #tpu.memory_space<vmem>>, vector<16xi32>,
        %get3A_279 = arith.constant 32 : index
        %get3A_280 = tpu.vector_load %arg11[%get3A_279] {strides = array<i32>} : memref<64xi32, #tpu.memory_space<vmem>>, vector<16xi32>,
        %gather3A_281 = tpu.vector_load_idx %arg8[%get3A_280] : memref<10000xi32, #tpu.memory_space<vmem>>[vector<16xi32>], vector<16xi32>,
        %swap3A_282 = arith.constant 32 : index
        %swap3A_283 = tpu.vector_load %arg19[%swap3A_282] {strides = array<i32>} : memref<64xi32, #tpu.memory_space<vmem>>, vector<16xi32>,
        tpu.vector_store %arg19[%swap3A_282], %gather3A_281 {strides = array<i32>} : memref<64xi32, #tpu.memory_space<vmem>>, vector<16xi32>,
        %get3A_284 = arith.constant 32 : index
        %get3A_285 = tpu.vector_load %arg15[%get3A_284] {strides = array<i32>} : memref<64xi32, #tpu.memory_space<vmem>>, vector<16xi32>,
        %swap3A_286 = arith.constant 32 : index
        %swap3A_287 = tpu.vector_load %arg23[%swap3A_286] {strides = array<i32>} : memref<64xi32, #tpu.memory_space<vmem>>, vector<16xi32>,
        tpu.vector_store %arg23[%swap3A_286], %get3A_285 {strides = array<i32>} : memref<64xi32, #tpu.memory_space<vmem>>, vector<16xi32>,
        %get3A_288 = arith.constant 48 : index
        %get3A_289 = tpu.vector_load %arg11[%get3A_288] {strides = array<i32>} : memref<64xi32, #tpu.memory_space<vmem>>, vector<16xi32>,
        %gather3A_290 = tpu.vector_load_idx %arg8[%get3A_289] : memref<10000xi32, #tpu.memory_space<vmem>>[vector<16xi32>], vector<16xi32>,
        %swap3A_291 = arith.constant 48 : index
        %swap3A_292 = tpu.vector_load %arg19[%swap3A_291] {strides = array<i32>} : memref<64xi32, #tpu.memory_space<vmem>>, vector<16xi32>,
        tpu.vector_store %arg19[%swap3A_291], %gather3A_290 {strides = array<i32>} : memref<64xi32, #tpu.memory_space<vmem>>, vector<16xi32>,
        %get3A_293 = arith.constant 48 : index
        %get3A_294 = tpu.vector_load %arg15[%get3A_293] {strides = array<i32>} : memref<64xi32, #tpu.memory_space<vmem>>, vector<16xi32>,
        %swap3A_295 = arith.constant 48 : index
        %swap3A_296 = tpu.vector_load %arg23[%swap3A_295] {strides = array<i32>} : memref<64xi32, #tpu.memory_space<vmem>>, vector<16xi32>,
        tpu.vector_store %arg23[%swap3A_295], %get3A_294 {strides = array<i32>} : memref<64xi32, #tpu.memory_space<vmem>>, vector<16xi32>,
        %dma_start3A_297 = arith.constant 0 : i32
        %dma_start3A_298 = arith.constant 0 : i32
        %dma_start3A_299 = tpu.memref_slice %arg2[%dma_start3A_297, %dma_start3A_298] : memref<10000x128xf32, #tpu.memory_space<hbm>> -> memref<10000x128xf32, #tpu.memory_space<hbm>>
        tpu.enqueue_indirect_dma source(%dma_start3A_299 : memref<10000x128xf32, #tpu.memory_space<hbm>>) target(%arg27 : memref<64x128xf32, #tpu.memory_space<vmem>>) offsets(%arg19 : memref<64xi32, #tpu.memory_space<vmem>>) semaphore(%arg40 : memref<!tpu.dma_semaphore, #tpu.memory_space<semaphore_mem>>)
      } else {
      }
      %add3A_168 = arith.constant 4 : i32
      %add3A_169 = arith.addi %add3A_157, %add3A_168 : i32
      %lt3A_170 = arith.constant 156 : i32
      %lt3A_171 = arith.cmpi slt, %add3A_169, %lt3A_170 : i32
      %convert_element_type3A_172 = arith.extui %lt3A_171 : i1 to i32
      %cond3A_173 = arith.constant 0 : i32
      %cond3A_174 = arith.cmpi ne, %convert_element_type3A_172, %cond3A_173 : i32
      scf.if %cond3A_174 {
        %mul3A_247 = arith.constant 64 : i32
        %mul3A_248 = arith.muli %add3A_169, %mul3A_247 : i32
        %add3A_249 = arith.addi %mul3A_2, %mul3A_248 : i32
        %dma_start3A_250 = tpu.memref_slice %arg4[%add3A_249] : memref<320000xi32, #tpu.memory_space<hbm>> -> memref<64xi32, #tpu.memory_space<hbm>>
        %dma_start3A_251 = tpu.memref_slice %arg4[%add3A_249] : memref<320000xi32, #tpu.memory_space<hbm>> -> memref<64xi32, #tpu.memory_space<hbm>>
        tpu.enqueue_dma source(%dma_start3A_251 : memref<64xi32, #tpu.memory_space<hbm>>) target(%arg9 : memref<64xi32, #tpu.memory_space<vmem>>) target_semaphore(%arg34 : memref<!tpu.dma_semaphore, #tpu.memory_space<semaphore_mem>>)
        %dma_start3A_252 = tpu.memref_slice %arg5[%add3A_249] : memref<320000xi32, #tpu.memory_space<hbm>> -> memref<64xi32, #tpu.memory_space<hbm>>
        %dma_start3A_253 = tpu.memref_slice %arg5[%add3A_249] : memref<320000xi32, #tpu.memory_space<hbm>> -> memref<64xi32, #tpu.memory_space<hbm>>
        tpu.enqueue_dma source(%dma_start3A_253 : memref<64xi32, #tpu.memory_space<hbm>>) target(%arg13 : memref<64xi32, #tpu.memory_space<vmem>>) target_semaphore(%arg34 : memref<!tpu.dma_semaphore, #tpu.memory_space<semaphore_mem>>)
      } else {
      }
      %mul3A_175 = arith.constant 4 : i32
      %mul3A_176 = arith.muli %scan3A_153, %mul3A_175 : i32
      %add3A_177 = arith.constant 1 : i32
      %add3A_178 = arith.addi %mul3A_176, %add3A_177 : i32
      %dma_wait3A_179 = arith.constant 0 : i32
      %dma_wait3A_180 = arith.constant 0 : i32
      %dma_wait3A_181 = tpu.memref_slice %arg2[%dma_wait3A_179, %dma_wait3A_180] : memref<10000x128xf32, #tpu.memory_space<hbm>> -> memref<10000x128xf32, #tpu.memory_space<hbm>>
      tpu.wait_indirect_dma semaphore(%arg39 : memref<!tpu.dma_semaphore, #tpu.memory_space<semaphore_mem>>) src(%dma_wait3A_181 : memref<10000x128xf32, #tpu.memory_space<hbm>>) dst(%arg26 : memref<64x128xf32, #tpu.memory_space<vmem>>)
      %dma_start3A_182 = arith.constant 0 : i32
      %dma_start3A_183 = arith.constant 0 : i32
      %dma_start3A_184 = tpu.memref_slice %arg33[%dma_start3A_182, %dma_start3A_183] : memref<10112x128xf32, #tpu.memory_space<vmem_shared>> -> memref<10112x128xf32, #tpu.memory_space<vmem_shared>>
      tpu.enqueue_indirect_dma source(%arg26 : memref<64x128xf32, #tpu.memory_space<vmem>>) target(%dma_start3A_184 : memref<10112x128xf32, #tpu.memory_space<vmem_shared>>) offsets(%arg22 : memref<64xi32, #tpu.memory_space<vmem>>) semaphore(%arg43 : memref<!tpu.dma_semaphore, #tpu.memory_space<semaphore_mem>>) {add = true}
      %add3A_185 = arith.constant 2 : i32
      %add3A_186 = arith.addi %add3A_178, %add3A_185 : i32
      %lt3A_187 = arith.constant 156 : i32
      %lt3A_188 = arith.cmpi slt, %add3A_186, %lt3A_187 : i32
      %convert_element_type3A_189 = arith.extui %lt3A_188 : i1 to i32
      %cond3A_190 = arith.constant 0 : i32
      %cond3A_191 = arith.cmpi ne, %convert_element_type3A_189, %cond3A_190 : i32
      scf.if %cond3A_191 {
        %ge3A = arith.constant 4 : i32
        %ge3A_247 = arith.cmpi sge, %add3A_186, %ge3A : i32
        %convert_element_type3A_248 = arith.extui %ge3A_247 : i1 to i32
        %cond3A_249 = arith.constant 0 : i32
        %cond3A_250 = arith.cmpi ne, %convert_element_type3A_248, %cond3A_249 : i32
        scf.if %cond3A_250 {
          %dma_wait3A_300 = arith.constant 0 : i32
          %dma_wait3A_301 = arith.constant 0 : i32
          %dma_wait3A_302 = tpu.memref_slice %arg33[%dma_wait3A_300, %dma_wait3A_301] : memref<10112x128xf32, #tpu.memory_space<vmem_shared>> -> memref<10112x128xf32, #tpu.memory_space<vmem_shared>>
          tpu.wait_indirect_dma semaphore(%arg45 : memref<!tpu.dma_semaphore, #tpu.memory_space<semaphore_mem>>) src(%arg28 : memref<64x128xf32, #tpu.memory_space<vmem>>) dst(%dma_wait3A_302 : memref<10112x128xf32, #tpu.memory_space<vmem_shared>>)
        } else {
        }
        %mul3A_251 = arith.constant 64 : i32
        %mul3A_252 = arith.muli %add3A_186, %mul3A_251 : i32
        %add3A_253 = arith.addi %mul3A_2, %mul3A_252 : i32
        %mul3A_254 = arith.constant 64 : i32
        %mul3A_255 = arith.muli %add3A_186, %mul3A_254 : i32
        %add3A_256 = arith.addi %mul3A_2, %mul3A_255 : i32
        %dma_wait3A_257 = tpu.memref_slice %arg4[%add3A_253] : memref<320000xi32, #tpu.memory_space<hbm>> -> memref<64xi32, #tpu.memory_space<hbm>>
        %dma_wait3A_258 = tpu.memref_slice %arg4[%add3A_253] : memref<320000xi32, #tpu.memory_space<hbm>> -> memref<64xi32, #tpu.memory_space<hbm>>
        tpu.wait_dma2 semaphore(%arg37 : memref<!tpu.dma_semaphore, #tpu.memory_space<semaphore_mem>>) src(%dma_wait3A_258 : memref<64xi32, #tpu.memory_space<hbm>>) dst(%arg12 : memref<64xi32, #tpu.memory_space<vmem>>)
        %dma_wait3A_259 = tpu.memref_slice %arg5[%add3A_256] : memref<320000xi32, #tpu.memory_space<hbm>> -> memref<64xi32, #tpu.memory_space<hbm>>
        %dma_wait3A_260 = tpu.memref_slice %arg5[%add3A_256] : memref<320000xi32, #tpu.memory_space<hbm>> -> memref<64xi32, #tpu.memory_space<hbm>>
        tpu.wait_dma2 semaphore(%arg37 : memref<!tpu.dma_semaphore, #tpu.memory_space<semaphore_mem>>) src(%dma_wait3A_260 : memref<64xi32, #tpu.memory_space<hbm>>) dst(%arg16 : memref<64xi32, #tpu.memory_space<vmem>>)
        %get3A_261 = arith.constant 0 : index
        %get3A_262 = tpu.vector_load %arg12[%get3A_261] {strides = array<i32>} : memref<64xi32, #tpu.memory_space<vmem>>, vector<16xi32>,
        %gather3A_263 = tpu.vector_load_idx %arg8[%get3A_262] : memref<10000xi32, #tpu.memory_space<vmem>>[vector<16xi32>], vector<16xi32>,
        %swap3A_264 = arith.constant 0 : index
        %swap3A_265 = tpu.vector_load %arg20[%swap3A_264] {strides = array<i32>} : memref<64xi32, #tpu.memory_space<vmem>>, vector<16xi32>,
        tpu.vector_store %arg20[%swap3A_264], %gather3A_263 {strides = array<i32>} : memref<64xi32, #tpu.memory_space<vmem>>, vector<16xi32>,
        %get3A_266 = arith.constant 0 : index
        %get3A_267 = tpu.vector_load %arg16[%get3A_266] {strides = array<i32>} : memref<64xi32, #tpu.memory_space<vmem>>, vector<16xi32>,
        %swap3A_268 = arith.constant 0 : index
        %swap3A_269 = tpu.vector_load %arg24[%swap3A_268] {strides = array<i32>} : memref<64xi32, #tpu.memory_space<vmem>>, vector<16xi32>,
        tpu.vector_store %arg24[%swap3A_268], %get3A_267 {strides = array<i32>} : memref<64xi32, #tpu.memory_space<vmem>>, vector<16xi32>,
        %get3A_270 = arith.constant 16 : index
        %get3A_271 = tpu.vector_load %arg12[%get3A_270] {strides = array<i32>} : memref<64xi32, #tpu.memory_space<vmem>>, vector<16xi32>,
        %gather3A_272 = tpu.vector_load_idx %arg8[%get3A_271] : memref<10000xi32, #tpu.memory_space<vmem>>[vector<16xi32>], vector<16xi32>,
        %swap3A_273 = arith.constant 16 : index
        %swap3A_274 = tpu.vector_load %arg20[%swap3A_273] {strides = array<i32>} : memref<64xi32, #tpu.memory_space<vmem>>, vector<16xi32>,
        tpu.vector_store %arg20[%swap3A_273], %gather3A_272 {strides = array<i32>} : memref<64xi32, #tpu.memory_space<vmem>>, vector<16xi32>,
        %get3A_275 = arith.constant 16 : index
        %get3A_276 = tpu.vector_load %arg16[%get3A_275] {strides = array<i32>} : memref<64xi32, #tpu.memory_space<vmem>>, vector<16xi32>,
        %swap3A_277 = arith.constant 16 : index
        %swap3A_278 = tpu.vector_load %arg24[%swap3A_277] {strides = array<i32>} : memref<64xi32, #tpu.memory_space<vmem>>, vector<16xi32>,
        tpu.vector_store %arg24[%swap3A_277], %get3A_276 {strides = array<i32>} : memref<64xi32, #tpu.memory_space<vmem>>, vector<16xi32>,
        %get3A_279 = arith.constant 32 : index
        %get3A_280 = tpu.vector_load %arg12[%get3A_279] {strides = array<i32>} : memref<64xi32, #tpu.memory_space<vmem>>, vector<16xi32>,
        %gather3A_281 = tpu.vector_load_idx %arg8[%get3A_280] : memref<10000xi32, #tpu.memory_space<vmem>>[vector<16xi32>], vector<16xi32>,
        %swap3A_282 = arith.constant 32 : index
        %swap3A_283 = tpu.vector_load %arg20[%swap3A_282] {strides = array<i32>} : memref<64xi32, #tpu.memory_space<vmem>>, vector<16xi32>,
        tpu.vector_store %arg20[%swap3A_282], %gather3A_281 {strides = array<i32>} : memref<64xi32, #tpu.memory_space<vmem>>, vector<16xi32>,
        %get3A_284 = arith.constant 32 : index
        %get3A_285 = tpu.vector_load %arg16[%get3A_284] {strides = array<i32>} : memref<64xi32, #tpu.memory_space<vmem>>, vector<16xi32>,
        %swap3A_286 = arith.constant 32 : index
        %swap3A_287 = tpu.vector_load %arg24[%swap3A_286] {strides = array<i32>} : memref<64xi32, #tpu.memory_space<vmem>>, vector<16xi32>,
        tpu.vector_store %arg24[%swap3A_286], %get3A_285 {strides = array<i32>} : memref<64xi32, #tpu.memory_space<vmem>>, vector<16xi32>,
        %get3A_288 = arith.constant 48 : index
        %get3A_289 = tpu.vector_load %arg12[%get3A_288] {strides = array<i32>} : memref<64xi32, #tpu.memory_space<vmem>>, vector<16xi32>,
        %gather3A_290 = tpu.vector_load_idx %arg8[%get3A_289] : memref<10000xi32, #tpu.memory_space<vmem>>[vector<16xi32>], vector<16xi32>,
        %swap3A_291 = arith.constant 48 : index
        %swap3A_292 = tpu.vector_load %arg20[%swap3A_291] {strides = array<i32>} : memref<64xi32, #tpu.memory_space<vmem>>, vector<16xi32>,
        tpu.vector_store %arg20[%swap3A_291], %gather3A_290 {strides = array<i32>} : memref<64xi32, #tpu.memory_space<vmem>>, vector<16xi32>,
        %get3A_293 = arith.constant 48 : index
        %get3A_294 = tpu.vector_load %arg16[%get3A_293] {strides = array<i32>} : memref<64xi32, #tpu.memory_space<vmem>>, vector<16xi32>,
        %swap3A_295 = arith.constant 48 : index
        %swap3A_296 = tpu.vector_load %arg24[%swap3A_295] {strides = array<i32>} : memref<64xi32, #tpu.memory_space<vmem>>, vector<16xi32>,
        tpu.vector_store %arg24[%swap3A_295], %get3A_294 {strides = array<i32>} : memref<64xi32, #tpu.memory_space<vmem>>, vector<16xi32>,
        %dma_start3A_297 = arith.constant 0 : i32
        %dma_start3A_298 = arith.constant 0 : i32
        %dma_start3A_299 = tpu.memref_slice %arg2[%dma_start3A_297, %dma_start3A_298] : memref<10000x128xf32, #tpu.memory_space<hbm>> -> memref<10000x128xf32, #tpu.memory_space<hbm>>
        tpu.enqueue_indirect_dma source(%dma_start3A_299 : memref<10000x128xf32, #tpu.memory_space<hbm>>) target(%arg28 : memref<64x128xf32, #tpu.memory_space<vmem>>) offsets(%arg20 : memref<64xi32, #tpu.memory_space<vmem>>) semaphore(%arg41 : memref<!tpu.dma_semaphore, #tpu.memory_space<semaphore_mem>>)
      } else {
      }
      %add3A_192 = arith.constant 4 : i32
      %add3A_193 = arith.addi %add3A_178, %add3A_192 : i32
      %lt3A_194 = arith.constant 156 : i32
      %lt3A_195 = arith.cmpi slt, %add3A_193, %lt3A_194 : i32
      %convert_element_type3A_196 = arith.extui %lt3A_195 : i1 to i32
      %cond3A_197 = arith.constant 0 : i32
      %cond3A_198 = arith.cmpi ne, %convert_element_type3A_196, %cond3A_197 : i32
      scf.if %cond3A_198 {
        %mul3A_247 = arith.constant 64 : i32
        %mul3A_248 = arith.muli %add3A_193, %mul3A_247 : i32
        %add3A_249 = arith.addi %mul3A_2, %mul3A_248 : i32
        %dma_start3A_250 = tpu.memref_slice %arg4[%add3A_249] : memref<320000xi32, #tpu.memory_space<hbm>> -> memref<64xi32, #tpu.memory_space<hbm>>
        %dma_start3A_251 = tpu.memref_slice %arg4[%add3A_249] : memref<320000xi32, #tpu.memory_space<hbm>> -> memref<64xi32, #tpu.memory_space<hbm>>
        tpu.enqueue_dma source(%dma_start3A_251 : memref<64xi32, #tpu.memory_space<hbm>>) target(%arg10 : memref<64xi32, #tpu.memory_space<vmem>>) target_semaphore(%arg35 : memref<!tpu.dma_semaphore, #tpu.memory_space<semaphore_mem>>)
        %dma_start3A_252 = tpu.memref_slice %arg5[%add3A_249] : memref<320000xi32, #tpu.memory_space<hbm>> -> memref<64xi32, #tpu.memory_space<hbm>>
        %dma_start3A_253 = tpu.memref_slice %arg5[%add3A_249] : memref<320000xi32, #tpu.memory_space<hbm>> -> memref<64xi32, #tpu.memory_space<hbm>>
        tpu.enqueue_dma source(%dma_start3A_253 : memref<64xi32, #tpu.memory_space<hbm>>) target(%arg14 : memref<64xi32, #tpu.memory_space<vmem>>) target_semaphore(%arg35 : memref<!tpu.dma_semaphore, #tpu.memory_space<semaphore_mem>>)
      } else {
      }
      %mul3A_199 = arith.constant 4 : i32
      %mul3A_200 = arith.muli %scan3A_153, %mul3A_199 : i32
      %add3A_201 = arith.constant 2 : i32
      %add3A_202 = arith.addi %mul3A_200, %add3A_201 : i32
      %dma_wait3A_203 = arith.constant 0 : i32
      %dma_wait3A_204 = arith.constant 0 : i32
      %dma_wait3A_205 = tpu.memref_slice %arg2[%dma_wait3A_203, %dma_wait3A_204] : memref<10000x128xf32, #tpu.memory_space<hbm>> -> memref<10000x128xf32, #tpu.memory_space<hbm>>
      tpu.wait_indirect_dma semaphore(%arg40 : memref<!tpu.dma_semaphore, #tpu.memory_space<semaphore_mem>>) src(%dma_wait3A_205 : memref<10000x128xf32, #tpu.memory_space<hbm>>) dst(%arg27 : memref<64x128xf32, #tpu.memory_space<vmem>>)
      %dma_start3A_206 = arith.constant 0 : i32
      %dma_start3A_207 = arith.constant 0 : i32
      %dma_start3A_208 = tpu.memref_slice %arg33[%dma_start3A_206, %dma_start3A_207] : memref<10112x128xf32, #tpu.memory_space<vmem_shared>> -> memref<10112x128xf32, #tpu.memory_space<vmem_shared>>
      tpu.enqueue_indirect_dma source(%arg27 : memref<64x128xf32, #tpu.memory_space<vmem>>) target(%dma_start3A_208 : memref<10112x128xf32, #tpu.memory_space<vmem_shared>>) offsets(%arg23 : memref<64xi32, #tpu.memory_space<vmem>>) semaphore(%arg44 : memref<!tpu.dma_semaphore, #tpu.memory_space<semaphore_mem>>) {add = true}
      %add3A_209 = arith.constant 2 : i32
      %add3A_210 = arith.addi %add3A_202, %add3A_209 : i32
      %lt3A_211 = arith.constant 156 : i32
      %lt3A_212 = arith.cmpi slt, %add3A_210, %lt3A_211 : i32
      %convert_element_type3A_213 = arith.extui %lt3A_212 : i1 to i32
      %cond3A_214 = arith.constant 0 : i32
      %cond3A_215 = arith.cmpi ne, %convert_element_type3A_213, %cond3A_214 : i32
      scf.if %cond3A_215 {
        %ge3A = arith.constant 4 : i32
        %ge3A_247 = arith.cmpi sge, %add3A_210, %ge3A : i32
        %convert_element_type3A_248 = arith.extui %ge3A_247 : i1 to i32
        %cond3A_249 = arith.constant 0 : i32
        %cond3A_250 = arith.cmpi ne, %convert_element_type3A_248, %cond3A_249 : i32
        scf.if %cond3A_250 {
          %dma_wait3A_300 = arith.constant 0 : i32
          %dma_wait3A_301 = arith.constant 0 : i32
          %dma_wait3A_302 = tpu.memref_slice %arg33[%dma_wait3A_300, %dma_wait3A_301] : memref<10112x128xf32, #tpu.memory_space<vmem_shared>> -> memref<10112x128xf32, #tpu.memory_space<vmem_shared>>
          tpu.wait_indirect_dma semaphore(%arg42 : memref<!tpu.dma_semaphore, #tpu.memory_space<semaphore_mem>>) src(%arg25 : memref<64x128xf32, #tpu.memory_space<vmem>>) dst(%dma_wait3A_302 : memref<10112x128xf32, #tpu.memory_space<vmem_shared>>)
        } else {
        }
        %mul3A_251 = arith.constant 64 : i32
        %mul3A_252 = arith.muli %add3A_210, %mul3A_251 : i32
        %add3A_253 = arith.addi %mul3A_2, %mul3A_252 : i32
        %mul3A_254 = arith.constant 64 : i32
        %mul3A_255 = arith.muli %add3A_210, %mul3A_254 : i32
        %add3A_256 = arith.addi %mul3A_2, %mul3A_255 : i32
        %dma_wait3A_257 = tpu.memref_slice %arg4[%add3A_253] : memref<320000xi32, #tpu.memory_space<hbm>> -> memref<64xi32, #tpu.memory_space<hbm>>
        %dma_wait3A_258 = tpu.memref_slice %arg4[%add3A_253] : memref<320000xi32, #tpu.memory_space<hbm>> -> memref<64xi32, #tpu.memory_space<hbm>>
        tpu.wait_dma2 semaphore(%arg34 : memref<!tpu.dma_semaphore, #tpu.memory_space<semaphore_mem>>) src(%dma_wait3A_258 : memref<64xi32, #tpu.memory_space<hbm>>) dst(%arg9 : memref<64xi32, #tpu.memory_space<vmem>>)
        %dma_wait3A_259 = tpu.memref_slice %arg5[%add3A_256] : memref<320000xi32, #tpu.memory_space<hbm>> -> memref<64xi32, #tpu.memory_space<hbm>>
        %dma_wait3A_260 = tpu.memref_slice %arg5[%add3A_256] : memref<320000xi32, #tpu.memory_space<hbm>> -> memref<64xi32, #tpu.memory_space<hbm>>
        tpu.wait_dma2 semaphore(%arg34 : memref<!tpu.dma_semaphore, #tpu.memory_space<semaphore_mem>>) src(%dma_wait3A_260 : memref<64xi32, #tpu.memory_space<hbm>>) dst(%arg13 : memref<64xi32, #tpu.memory_space<vmem>>)
        %get3A_261 = arith.constant 0 : index
        %get3A_262 = tpu.vector_load %arg9[%get3A_261] {strides = array<i32>} : memref<64xi32, #tpu.memory_space<vmem>>, vector<16xi32>,
        %gather3A_263 = tpu.vector_load_idx %arg8[%get3A_262] : memref<10000xi32, #tpu.memory_space<vmem>>[vector<16xi32>], vector<16xi32>,
        %swap3A_264 = arith.constant 0 : index
        %swap3A_265 = tpu.vector_load %arg17[%swap3A_264] {strides = array<i32>} : memref<64xi32, #tpu.memory_space<vmem>>, vector<16xi32>,
        tpu.vector_store %arg17[%swap3A_264], %gather3A_263 {strides = array<i32>} : memref<64xi32, #tpu.memory_space<vmem>>, vector<16xi32>,
        %get3A_266 = arith.constant 0 : index
        %get3A_267 = tpu.vector_load %arg13[%get3A_266] {strides = array<i32>} : memref<64xi32, #tpu.memory_space<vmem>>, vector<16xi32>,
        %swap3A_268 = arith.constant 0 : index
        %swap3A_269 = tpu.vector_load %arg21[%swap3A_268] {strides = array<i32>} : memref<64xi32, #tpu.memory_space<vmem>>, vector<16xi32>,
        tpu.vector_store %arg21[%swap3A_268], %get3A_267 {strides = array<i32>} : memref<64xi32, #tpu.memory_space<vmem>>, vector<16xi32>,
        %get3A_270 = arith.constant 16 : index
        %get3A_271 = tpu.vector_load %arg9[%get3A_270] {strides = array<i32>} : memref<64xi32, #tpu.memory_space<vmem>>, vector<16xi32>,
        %gather3A_272 = tpu.vector_load_idx %arg8[%get3A_271] : memref<10000xi32, #tpu.memory_space<vmem>>[vector<16xi32>], vector<16xi32>,
        %swap3A_273 = arith.constant 16 : index
        %swap3A_274 = tpu.vector_load %arg17[%swap3A_273] {strides = array<i32>} : memref<64xi32, #tpu.memory_space<vmem>>, vector<16xi32>,
        tpu.vector_store %arg17[%swap3A_273], %gather3A_272 {strides = array<i32>} : memref<64xi32, #tpu.memory_space<vmem>>, vector<16xi32>,
        %get3A_275 = arith.constant 16 : index
        %get3A_276 = tpu.vector_load %arg13[%get3A_275] {strides = array<i32>} : memref<64xi32, #tpu.memory_space<vmem>>, vector<16xi32>,
        %swap3A_277 = arith.constant 16 : index
        %swap3A_278 = tpu.vector_load %arg21[%swap3A_277] {strides = array<i32>} : memref<64xi32, #tpu.memory_space<vmem>>, vector<16xi32>,
        tpu.vector_store %arg21[%swap3A_277], %get3A_276 {strides = array<i32>} : memref<64xi32, #tpu.memory_space<vmem>>, vector<16xi32>,
        %get3A_279 = arith.constant 32 : index
        %get3A_280 = tpu.vector_load %arg9[%get3A_279] {strides = array<i32>} : memref<64xi32, #tpu.memory_space<vmem>>, vector<16xi32>,
        %gather3A_281 = tpu.vector_load_idx %arg8[%get3A_280] : memref<10000xi32, #tpu.memory_space<vmem>>[vector<16xi32>], vector<16xi32>,
        %swap3A_282 = arith.constant 32 : index
        %swap3A_283 = tpu.vector_load %arg17[%swap3A_282] {strides = array<i32>} : memref<64xi32, #tpu.memory_space<vmem>>, vector<16xi32>,
        tpu.vector_store %arg17[%swap3A_282], %gather3A_281 {strides = array<i32>} : memref<64xi32, #tpu.memory_space<vmem>>, vector<16xi32>,
        %get3A_284 = arith.constant 32 : index
        %get3A_285 = tpu.vector_load %arg13[%get3A_284] {strides = array<i32>} : memref<64xi32, #tpu.memory_space<vmem>>, vector<16xi32>,
        %swap3A_286 = arith.constant 32 : index
        %swap3A_287 = tpu.vector_load %arg21[%swap3A_286] {strides = array<i32>} : memref<64xi32, #tpu.memory_space<vmem>>, vector<16xi32>,
        tpu.vector_store %arg21[%swap3A_286], %get3A_285 {strides = array<i32>} : memref<64xi32, #tpu.memory_space<vmem>>, vector<16xi32>,
        %get3A_288 = arith.constant 48 : index
        %get3A_289 = tpu.vector_load %arg9[%get3A_288] {strides = array<i32>} : memref<64xi32, #tpu.memory_space<vmem>>, vector<16xi32>,
        %gather3A_290 = tpu.vector_load_idx %arg8[%get3A_289] : memref<10000xi32, #tpu.memory_space<vmem>>[vector<16xi32>], vector<16xi32>,
        %swap3A_291 = arith.constant 48 : index
        %swap3A_292 = tpu.vector_load %arg17[%swap3A_291] {strides = array<i32>} : memref<64xi32, #tpu.memory_space<vmem>>, vector<16xi32>,
        tpu.vector_store %arg17[%swap3A_291], %gather3A_290 {strides = array<i32>} : memref<64xi32, #tpu.memory_space<vmem>>, vector<16xi32>,
        %get3A_293 = arith.constant 48 : index
        %get3A_294 = tpu.vector_load %arg13[%get3A_293] {strides = array<i32>} : memref<64xi32, #tpu.memory_space<vmem>>, vector<16xi32>,
        %swap3A_295 = arith.constant 48 : index
        %swap3A_296 = tpu.vector_load %arg21[%swap3A_295] {strides = array<i32>} : memref<64xi32, #tpu.memory_space<vmem>>, vector<16xi32>,
        tpu.vector_store %arg21[%swap3A_295], %get3A_294 {strides = array<i32>} : memref<64xi32, #tpu.memory_space<vmem>>, vector<16xi32>,
        %dma_start3A_297 = arith.constant 0 : i32
        %dma_start3A_298 = arith.constant 0 : i32
        %dma_start3A_299 = tpu.memref_slice %arg2[%dma_start3A_297, %dma_start3A_298] : memref<10000x128xf32, #tpu.memory_space<hbm>> -> memref<10000x128xf32, #tpu.memory_space<hbm>>
        tpu.enqueue_indirect_dma source(%dma_start3A_299 : memref<10000x128xf32, #tpu.memory_space<hbm>>) target(%arg25 : memref<64x128xf32, #tpu.memory_space<vmem>>) offsets(%arg17 : memref<64xi32, #tpu.memory_space<vmem>>) semaphore(%arg38 : memref<!tpu.dma_semaphore, #tpu.memory_space<semaphore_mem>>)
      } else {
      }
      %add3A_216 = arith.constant 4 : i32
      %add3A_217 = arith.addi %add3A_202, %add3A_216 : i32
      %lt3A_218 = arith.constant 156 : i32
      %lt3A_219 = arith.cmpi slt, %add3A_217, %lt3A_218 : i32
      %convert_element_type3A_220 = arith.extui %lt3A_219 : i1 to i32
      %cond3A_221 = arith.constant 0 : i32
      %cond3A_222 = arith.cmpi ne, %convert_element_type3A_220, %cond3A_221 : i32
      scf.if %cond3A_222 {
        %mul3A_247 = arith.constant 64 : i32
        %mul3A_248 = arith.muli %add3A_217, %mul3A_247 : i32
        %add3A_249 = arith.addi %mul3A_2, %mul3A_248 : i32
        %dma_start3A_250 = tpu.memref_slice %arg4[%add3A_249] : memref<320000xi32, #tpu.memory_space<hbm>> -> memref<64xi32, #tpu.memory_space<hbm>>
        %dma_start3A_251 = tpu.memref_slice %arg4[%add3A_249] : memref<320000xi32, #tpu.memory_space<hbm>> -> memref<64xi32, #tpu.memory_space<hbm>>
        tpu.enqueue_dma source(%dma_start3A_251 : memref<64xi32, #tpu.memory_space<hbm>>) target(%arg11 : memref<64xi32, #tpu.memory_space<vmem>>) target_semaphore(%arg36 : memref<!tpu.dma_semaphore, #tpu.memory_space<semaphore_mem>>)
        %dma_start3A_252 = tpu.memref_slice %arg5[%add3A_249] : memref<320000xi32, #tpu.memory_space<hbm>> -> memref<64xi32, #tpu.memory_space<hbm>>
        %dma_start3A_253 = tpu.memref_slice %arg5[%add3A_249] : memref<320000xi32, #tpu.memory_space<hbm>> -> memref<64xi32, #tpu.memory_space<hbm>>
        tpu.enqueue_dma source(%dma_start3A_253 : memref<64xi32, #tpu.memory_space<hbm>>) target(%arg15 : memref<64xi32, #tpu.memory_space<vmem>>) target_semaphore(%arg36 : memref<!tpu.dma_semaphore, #tpu.memory_space<semaphore_mem>>)
      } else {
      }
      %mul3A_223 = arith.constant 4 : i32
      %mul3A_224 = arith.muli %scan3A_153, %mul3A_223 : i32
      %add3A_225 = arith.constant 3 : i32
      %add3A_226 = arith.addi %mul3A_224, %add3A_225 : i32
      %dma_wait3A_227 = arith.constant 0 : i32
      %dma_wait3A_228 = arith.constant 0 : i32
      %dma_wait3A_229 = tpu.memref_slice %arg2[%dma_wait3A_227, %dma_wait3A_228] : memref<10000x128xf32, #tpu.memory_space<hbm>> -> memref<10000x128xf32, #tpu.memory_space<hbm>>
      tpu.wait_indirect_dma semaphore(%arg41 : memref<!tpu.dma_semaphore, #tpu.memory_space<semaphore_mem>>) src(%dma_wait3A_229 : memref<10000x128xf32, #tpu.memory_space<hbm>>) dst(%arg28 : memref<64x128xf32, #tpu.memory_space<vmem>>)
      %dma_start3A_230 = arith.constant 0 : i32
      %dma_start3A_231 = arith.constant 0 : i32
      %dma_start3A_232 = tpu.memref_slice %arg33[%dma_start3A_230, %dma_start3A_231] : memref<10112x128xf32, #tpu.memory_space<vmem_shared>> -> memref<10112x128xf32, #tpu.memory_space<vmem_shared>>
      tpu.enqueue_indirect_dma source(%arg28 : memref<64x128xf32, #tpu.memory_space<vmem>>) target(%dma_start3A_232 : memref<10112x128xf32, #tpu.memory_space<vmem_shared>>) offsets(%arg24 : memref<64xi32, #tpu.memory_space<vmem>>) semaphore(%arg45 : memref<!tpu.dma_semaphore, #tpu.memory_space<semaphore_mem>>) {add = true}
      %add3A_233 = arith.constant 2 : i32
      %add3A_234 = arith.addi %add3A_226, %add3A_233 : i32
      %lt3A_235 = arith.constant 156 : i32
      %lt3A_236 = arith.cmpi slt, %add3A_234, %lt3A_235 : i32
      %convert_element_type3A_237 = arith.extui %lt3A_236 : i1 to i32
      %cond3A_238 = arith.constant 0 : i32
      %cond3A_239 = arith.cmpi ne, %convert_element_type3A_237, %cond3A_238 : i32
      scf.if %cond3A_239 {
        %ge3A = arith.constant 4 : i32
        %ge3A_247 = arith.cmpi sge, %add3A_234, %ge3A : i32
        %convert_element_type3A_248 = arith.extui %ge3A_247 : i1 to i32
        %cond3A_249 = arith.constant 0 : i32
        %cond3A_250 = arith.cmpi ne, %convert_element_type3A_248, %cond3A_249 : i32
        scf.if %cond3A_250 {
          %dma_wait3A_300 = arith.constant 0 : i32
          %dma_wait3A_301 = arith.constant 0 : i32
          %dma_wait3A_302 = tpu.memref_slice %arg33[%dma_wait3A_300, %dma_wait3A_301] : memref<10112x128xf32, #tpu.memory_space<vmem_shared>> -> memref<10112x128xf32, #tpu.memory_space<vmem_shared>>
          tpu.wait_indirect_dma semaphore(%arg43 : memref<!tpu.dma_semaphore, #tpu.memory_space<semaphore_mem>>) src(%arg26 : memref<64x128xf32, #tpu.memory_space<vmem>>) dst(%dma_wait3A_302 : memref<10112x128xf32, #tpu.memory_space<vmem_shared>>)
        } else {
        }
        %mul3A_251 = arith.constant 64 : i32
        %mul3A_252 = arith.muli %add3A_234, %mul3A_251 : i32
        %add3A_253 = arith.addi %mul3A_2, %mul3A_252 : i32
        %mul3A_254 = arith.constant 64 : i32
        %mul3A_255 = arith.muli %add3A_234, %mul3A_254 : i32
        %add3A_256 = arith.addi %mul3A_2, %mul3A_255 : i32
        %dma_wait3A_257 = tpu.memref_slice %arg4[%add3A_253] : memref<320000xi32, #tpu.memory_space<hbm>> -> memref<64xi32, #tpu.memory_space<hbm>>
        %dma_wait3A_258 = tpu.memref_slice %arg4[%add3A_253] : memref<320000xi32, #tpu.memory_space<hbm>> -> memref<64xi32, #tpu.memory_space<hbm>>
        tpu.wait_dma2 semaphore(%arg35 : memref<!tpu.dma_semaphore, #tpu.memory_space<semaphore_mem>>) src(%dma_wait3A_258 : memref<64xi32, #tpu.memory_space<hbm>>) dst(%arg10 : memref<64xi32, #tpu.memory_space<vmem>>)
        %dma_wait3A_259 = tpu.memref_slice %arg5[%add3A_256] : memref<320000xi32, #tpu.memory_space<hbm>> -> memref<64xi32, #tpu.memory_space<hbm>>
        %dma_wait3A_260 = tpu.memref_slice %arg5[%add3A_256] : memref<320000xi32, #tpu.memory_space<hbm>> -> memref<64xi32, #tpu.memory_space<hbm>>
        tpu.wait_dma2 semaphore(%arg35 : memref<!tpu.dma_semaphore, #tpu.memory_space<semaphore_mem>>) src(%dma_wait3A_260 : memref<64xi32, #tpu.memory_space<hbm>>) dst(%arg14 : memref<64xi32, #tpu.memory_space<vmem>>)
        %get3A_261 = arith.constant 0 : index
        %get3A_262 = tpu.vector_load %arg10[%get3A_261] {strides = array<i32>} : memref<64xi32, #tpu.memory_space<vmem>>, vector<16xi32>,
        %gather3A_263 = tpu.vector_load_idx %arg8[%get3A_262] : memref<10000xi32, #tpu.memory_space<vmem>>[vector<16xi32>], vector<16xi32>,
        %swap3A_264 = arith.constant 0 : index
        %swap3A_265 = tpu.vector_load %arg18[%swap3A_264] {strides = array<i32>} : memref<64xi32, #tpu.memory_space<vmem>>, vector<16xi32>,
        tpu.vector_store %arg18[%swap3A_264], %gather3A_263 {strides = array<i32>} : memref<64xi32, #tpu.memory_space<vmem>>, vector<16xi32>,
        %get3A_266 = arith.constant 0 : index
        %get3A_267 = tpu.vector_load %arg14[%get3A_266] {strides = array<i32>} : memref<64xi32, #tpu.memory_space<vmem>>, vector<16xi32>,
        %swap3A_268 = arith.constant 0 : index
        %swap3A_269 = tpu.vector_load %arg22[%swap3A_268] {strides = array<i32>} : memref<64xi32, #tpu.memory_space<vmem>>, vector<16xi32>,
        tpu.vector_store %arg22[%swap3A_268], %get3A_267 {strides = array<i32>} : memref<64xi32, #tpu.memory_space<vmem>>, vector<16xi32>,
        %get3A_270 = arith.constant 16 : index
        %get3A_271 = tpu.vector_load %arg10[%get3A_270] {strides = array<i32>} : memref<64xi32, #tpu.memory_space<vmem>>, vector<16xi32>,
        %gather3A_272 = tpu.vector_load_idx %arg8[%get3A_271] : memref<10000xi32, #tpu.memory_space<vmem>>[vector<16xi32>], vector<16xi32>,
        %swap3A_273 = arith.constant 16 : index
        %swap3A_274 = tpu.vector_load %arg18[%swap3A_273] {strides = array<i32>} : memref<64xi32, #tpu.memory_space<vmem>>, vector<16xi32>,
        tpu.vector_store %arg18[%swap3A_273], %gather3A_272 {strides = array<i32>} : memref<64xi32, #tpu.memory_space<vmem>>, vector<16xi32>,
        %get3A_275 = arith.constant 16 : index
        %get3A_276 = tpu.vector_load %arg14[%get3A_275] {strides = array<i32>} : memref<64xi32, #tpu.memory_space<vmem>>, vector<16xi32>,
        %swap3A_277 = arith.constant 16 : index
        %swap3A_278 = tpu.vector_load %arg22[%swap3A_277] {strides = array<i32>} : memref<64xi32, #tpu.memory_space<vmem>>, vector<16xi32>,
        tpu.vector_store %arg22[%swap3A_277], %get3A_276 {strides = array<i32>} : memref<64xi32, #tpu.memory_space<vmem>>, vector<16xi32>,
        %get3A_279 = arith.constant 32 : index
        %get3A_280 = tpu.vector_load %arg10[%get3A_279] {strides = array<i32>} : memref<64xi32, #tpu.memory_space<vmem>>, vector<16xi32>,
        %gather3A_281 = tpu.vector_load_idx %arg8[%get3A_280] : memref<10000xi32, #tpu.memory_space<vmem>>[vector<16xi32>], vector<16xi32>,
        %swap3A_282 = arith.constant 32 : index
        %swap3A_283 = tpu.vector_load %arg18[%swap3A_282] {strides = array<i32>} : memref<64xi32, #tpu.memory_space<vmem>>, vector<16xi32>,
        tpu.vector_store %arg18[%swap3A_282], %gather3A_281 {strides = array<i32>} : memref<64xi32, #tpu.memory_space<vmem>>, vector<16xi32>,
        %get3A_284 = arith.constant 32 : index
        %get3A_285 = tpu.vector_load %arg14[%get3A_284] {strides = array<i32>} : memref<64xi32, #tpu.memory_space<vmem>>, vector<16xi32>,
        %swap3A_286 = arith.constant 32 : index
        %swap3A_287 = tpu.vector_load %arg22[%swap3A_286] {strides = array<i32>} : memref<64xi32, #tpu.memory_space<vmem>>, vector<16xi32>,
        tpu.vector_store %arg22[%swap3A_286], %get3A_285 {strides = array<i32>} : memref<64xi32, #tpu.memory_space<vmem>>, vector<16xi32>,
        %get3A_288 = arith.constant 48 : index
        %get3A_289 = tpu.vector_load %arg10[%get3A_288] {strides = array<i32>} : memref<64xi32, #tpu.memory_space<vmem>>, vector<16xi32>,
        %gather3A_290 = tpu.vector_load_idx %arg8[%get3A_289] : memref<10000xi32, #tpu.memory_space<vmem>>[vector<16xi32>], vector<16xi32>,
        %swap3A_291 = arith.constant 48 : index
        %swap3A_292 = tpu.vector_load %arg18[%swap3A_291] {strides = array<i32>} : memref<64xi32, #tpu.memory_space<vmem>>, vector<16xi32>,
        tpu.vector_store %arg18[%swap3A_291], %gather3A_290 {strides = array<i32>} : memref<64xi32, #tpu.memory_space<vmem>>, vector<16xi32>,
        %get3A_293 = arith.constant 48 : index
        %get3A_294 = tpu.vector_load %arg14[%get3A_293] {strides = array<i32>} : memref<64xi32, #tpu.memory_space<vmem>>, vector<16xi32>,
        %swap3A_295 = arith.constant 48 : index
        %swap3A_296 = tpu.vector_load %arg22[%swap3A_295] {strides = array<i32>} : memref<64xi32, #tpu.memory_space<vmem>>, vector<16xi32>,
        tpu.vector_store %arg22[%swap3A_295], %get3A_294 {strides = array<i32>} : memref<64xi32, #tpu.memory_space<vmem>>, vector<16xi32>,
        %dma_start3A_297 = arith.constant 0 : i32
        %dma_start3A_298 = arith.constant 0 : i32
        %dma_start3A_299 = tpu.memref_slice %arg2[%dma_start3A_297, %dma_start3A_298] : memref<10000x128xf32, #tpu.memory_space<hbm>> -> memref<10000x128xf32, #tpu.memory_space<hbm>>
        tpu.enqueue_indirect_dma source(%dma_start3A_299 : memref<10000x128xf32, #tpu.memory_space<hbm>>) target(%arg26 : memref<64x128xf32, #tpu.memory_space<vmem>>) offsets(%arg18 : memref<64xi32, #tpu.memory_space<vmem>>) semaphore(%arg39 : memref<!tpu.dma_semaphore, #tpu.memory_space<semaphore_mem>>)
      } else {
      }
      %add3A_240 = arith.constant 4 : i32
      %add3A_241 = arith.addi %add3A_226, %add3A_240 : i32
      %lt3A_242 = arith.constant 156 : i32
      %lt3A_243 = arith.cmpi slt, %add3A_241, %lt3A_242 : i32
      %convert_element_type3A_244 = arith.extui %lt3A_243 : i1 to i32
      %cond3A_245 = arith.constant 0 : i32
      %cond3A_246 = arith.cmpi ne, %convert_element_type3A_244, %cond3A_245 : i32
      scf.if %cond3A_246 {
        %mul3A_247 = arith.constant 64 : i32
        %mul3A_248 = arith.muli %add3A_241, %mul3A_247 : i32
        %add3A_249 = arith.addi %mul3A_2, %mul3A_248 : i32
        %dma_start3A_250 = tpu.memref_slice %arg4[%add3A_249] : memref<320000xi32, #tpu.memory_space<hbm>> -> memref<64xi32, #tpu.memory_space<hbm>>
        %dma_start3A_251 = tpu.memref_slice %arg4[%add3A_249] : memref<320000xi32, #tpu.memory_space<hbm>> -> memref<64xi32, #tpu.memory_space<hbm>>
        tpu.enqueue_dma source(%dma_start3A_251 : memref<64xi32, #tpu.memory_space<hbm>>) target(%arg12 : memref<64xi32, #tpu.memory_space<vmem>>) target_semaphore(%arg37 : memref<!tpu.dma_semaphore, #tpu.memory_space<semaphore_mem>>)
        %dma_start3A_252 = tpu.memref_slice %arg5[%add3A_249] : memref<320000xi32, #tpu.memory_space<hbm>> -> memref<64xi32, #tpu.memory_space<hbm>>
        %dma_start3A_253 = tpu.memref_slice %arg5[%add3A_249] : memref<320000xi32, #tpu.memory_space<hbm>> -> memref<64xi32, #tpu.memory_space<hbm>>
        tpu.enqueue_dma source(%dma_start3A_253 : memref<64xi32, #tpu.memory_space<hbm>>) target(%arg16 : memref<64xi32, #tpu.memory_space<vmem>>) target_semaphore(%arg37 : memref<!tpu.dma_semaphore, #tpu.memory_space<semaphore_mem>>)
      } else {
      }
    }
    %scan3A_122 = arith.constant 39 : i32
    %dma_wait3A_123 = arith.constant 0 : i32
    %dma_wait3A_124 = arith.constant 0 : i32
    %dma_wait3A_125 = tpu.memref_slice %arg33[%dma_wait3A_123, %dma_wait3A_124] : memref<10112x128xf32, #tpu.memory_space<vmem_shared>> -> memref<10112x128xf32, #tpu.memory_space<vmem_shared>>
    tpu.wait_indirect_dma semaphore(%arg42 : memref<!tpu.dma_semaphore, #tpu.memory_space<semaphore_mem>>) src(%arg25 : memref<64x128xf32, #tpu.memory_space<vmem>>) dst(%dma_wait3A_125 : memref<10112x128xf32, #tpu.memory_space<vmem_shared>>)
    %dma_wait3A_126 = arith.constant 0 : i32
    %dma_wait3A_127 = arith.constant 0 : i32
    %dma_wait3A_128 = tpu.memref_slice %arg33[%dma_wait3A_126, %dma_wait3A_127] : memref<10112x128xf32, #tpu.memory_space<vmem_shared>> -> memref<10112x128xf32, #tpu.memory_space<vmem_shared>>
    tpu.wait_indirect_dma semaphore(%arg43 : memref<!tpu.dma_semaphore, #tpu.memory_space<semaphore_mem>>) src(%arg26 : memref<64x128xf32, #tpu.memory_space<vmem>>) dst(%dma_wait3A_128 : memref<10112x128xf32, #tpu.memory_space<vmem_shared>>)
    %dma_wait3A_129 = arith.constant 0 : i32
    %dma_wait3A_130 = arith.constant 0 : i32
    %dma_wait3A_131 = tpu.memref_slice %arg33[%dma_wait3A_129, %dma_wait3A_130] : memref<10112x128xf32, #tpu.memory_space<vmem_shared>> -> memref<10112x128xf32, #tpu.memory_space<vmem_shared>>
    tpu.wait_indirect_dma semaphore(%arg44 : memref<!tpu.dma_semaphore, #tpu.memory_space<semaphore_mem>>) src(%arg27 : memref<64x128xf32, #tpu.memory_space<vmem>>) dst(%dma_wait3A_131 : memref<10112x128xf32, #tpu.memory_space<vmem_shared>>)
    %dma_wait3A_132 = arith.constant 0 : i32
    %dma_wait3A_133 = arith.constant 0 : i32
    %dma_wait3A_134 = tpu.memref_slice %arg33[%dma_wait3A_132, %dma_wait3A_133] : memref<10112x128xf32, #tpu.memory_space<vmem_shared>> -> memref<10112x128xf32, #tpu.memory_space<vmem_shared>>
    tpu.wait_indirect_dma semaphore(%arg45 : memref<!tpu.dma_semaphore, #tpu.memory_space<semaphore_mem>>) src(%arg28 : memref<64x128xf32, #tpu.memory_space<vmem>>) dst(%dma_wait3A_134 : memref<10112x128xf32, #tpu.memory_space<vmem_shared>>)
    %add3A_135 = arith.constant 9984 : i32
    %add3A_136 = arith.addi %mul3A_2, %add3A_135 : i32
    "tpu.region"() ({
      %run_scoped3A = tpu.sem_alloc : memref<!tpu.dma_semaphore, #tpu.memory_space<semaphore_mem>>
      %dma_start3A_153 = tpu.memref_slice %arg4[%add3A_136] : memref<320000xi32, #tpu.memory_space<hbm>> -> memref<16xi32, #tpu.memory_space<hbm>>
      %dma_start3A_154 = tpu.memref_slice %arg4[%add3A_136] : memref<320000xi32, #tpu.memory_space<hbm>> -> memref<16xi32, #tpu.memory_space<hbm>>
      tpu.enqueue_dma source(%dma_start3A_154 : memref<16xi32, #tpu.memory_space<hbm>>) target(%arg29 : memref<16xi32, #tpu.memory_space<vmem>>) target_semaphore(%run_scoped3A : memref<!tpu.dma_semaphore, #tpu.memory_space<semaphore_mem>>)
      %dma_wait3A_155 = tpu.memref_slice %arg4[%add3A_136] : memref<320000xi32, #tpu.memory_space<hbm>> -> memref<16xi32, #tpu.memory_space<hbm>>
      %dma_wait3A_156 = tpu.memref_slice %arg4[%add3A_136] : memref<320000xi32, #tpu.memory_space<hbm>> -> memref<16xi32, #tpu.memory_space<hbm>>
      tpu.wait_dma2 semaphore(%run_scoped3A : memref<!tpu.dma_semaphore, #tpu.memory_space<semaphore_mem>>) src(%dma_wait3A_156 : memref<16xi32, #tpu.memory_space<hbm>>) dst(%arg29 : memref<16xi32, #tpu.memory_space<vmem>>)
      tpu.yield
    }) : () -> ()
    "tpu.region"() ({
      %run_scoped3A = tpu.sem_alloc : memref<!tpu.dma_semaphore, #tpu.memory_space<semaphore_mem>>
      %dma_start3A_153 = tpu.memref_slice %arg5[%add3A_136] : memref<320000xi32, #tpu.memory_space<hbm>> -> memref<16xi32, #tpu.memory_space<hbm>>
      %dma_start3A_154 = tpu.memref_slice %arg5[%add3A_136] : memref<320000xi32, #tpu.memory_space<hbm>> -> memref<16xi32, #tpu.memory_space<hbm>>
      tpu.enqueue_dma source(%dma_start3A_154 : memref<16xi32, #tpu.memory_space<hbm>>) target(%arg30 : memref<16xi32, #tpu.memory_space<vmem>>) target_semaphore(%run_scoped3A : memref<!tpu.dma_semaphore, #tpu.memory_space<semaphore_mem>>)
      %dma_wait3A_155 = tpu.memref_slice %arg5[%add3A_136] : memref<320000xi32, #tpu.memory_space<hbm>> -> memref<16xi32, #tpu.memory_space<hbm>>
      %dma_wait3A_156 = tpu.memref_slice %arg5[%add3A_136] : memref<320000xi32, #tpu.memory_space<hbm>> -> memref<16xi32, #tpu.memory_space<hbm>>
      tpu.wait_dma2 semaphore(%run_scoped3A : memref<!tpu.dma_semaphore, #tpu.memory_space<semaphore_mem>>) src(%dma_wait3A_156 : memref<16xi32, #tpu.memory_space<hbm>>) dst(%arg30 : memref<16xi32, #tpu.memory_space<vmem>>)
      tpu.yield
    }) : () -> ()
    %get3A_137 = arith.constant 0 : index
    %get3A_138 = tpu.vector_load %arg29[%get3A_137] {strides = array<i32>} : memref<16xi32, #tpu.memory_space<vmem>>, vector<16xi32>,
    %gather3A_139 = tpu.vector_load_idx %arg8[%get3A_138] : memref<10000xi32, #tpu.memory_space<vmem>>[vector<16xi32>], vector<16xi32>,
    %swap3A_140 = arith.constant 0 : index
    %swap3A_141 = tpu.vector_load %arg31[%swap3A_140] {strides = array<i32>} : memref<16xi32, #tpu.memory_space<vmem>>, vector<16xi32>,
    tpu.vector_store %arg31[%swap3A_140], %gather3A_139 {strides = array<i32>} : memref<16xi32, #tpu.memory_space<vmem>>, vector<16xi32>,
    %dma_start3A_142 = arith.constant 0 : i32
    %dma_start3A_143 = arith.constant 0 : i32
    %dma_start3A_144 = tpu.memref_slice %arg2[%dma_start3A_142, %dma_start3A_143] : memref<10000x128xf32, #tpu.memory_space<hbm>> -> memref<10000x128xf32, #tpu.memory_space<hbm>>
    tpu.enqueue_indirect_dma source(%dma_start3A_144 : memref<10000x128xf32, #tpu.memory_space<hbm>>) target(%arg32 : memref<16x128xf32, #tpu.memory_space<vmem>>) offsets(%arg31 : memref<16xi32, #tpu.memory_space<vmem>>) semaphore(%arg38 : memref<!tpu.dma_semaphore, #tpu.memory_space<semaphore_mem>>)
    %dma_wait3A_145 = arith.constant 0 : i32
    %dma_wait3A_146 = arith.constant 0 : i32
    %dma_wait3A_147 = tpu.memref_slice %arg2[%dma_wait3A_145, %dma_wait3A_146] : memref<10000x128xf32, #tpu.memory_space<hbm>> -> memref<10000x128xf32, #tpu.memory_space<hbm>>
    tpu.wait_indirect_dma semaphore(%arg38 : memref<!tpu.dma_semaphore, #tpu.memory_space<semaphore_mem>>) src(%dma_wait3A_147 : memref<10000x128xf32, #tpu.memory_space<hbm>>) dst(%arg32 : memref<16x128xf32, #tpu.memory_space<vmem>>)
    "tpu.region"() ({
      %run_scoped3A = tpu.sem_alloc : memref<!tpu.dma_semaphore, #tpu.memory_space<semaphore_mem>>
      %dma_start3A_153 = arith.constant 0 : i32
      %dma_start3A_154 = arith.constant 0 : i32
      %dma_start3A_155 = tpu.memref_slice %arg33[%dma_start3A_153, %dma_start3A_154] : memref<10112x128xf32, #tpu.memory_space<vmem_shared>> -> memref<10112x128xf32, #tpu.memory_space<vmem_shared>>
      tpu.enqueue_indirect_dma source(%arg32 : memref<16x128xf32, #tpu.memory_space<vmem>>) target(%dma_start3A_155 : memref<10112x128xf32, #tpu.memory_space<vmem_shared>>) offsets(%arg30 : memref<16xi32, #tpu.memory_space<vmem>>) semaphore(%run_scoped3A : memref<!tpu.dma_semaphore, #tpu.memory_space<semaphore_mem>>) {add = true}
      %dma_wait3A_156 = arith.constant 0 : i32
      %dma_wait3A_157 = arith.constant 0 : i32
      %dma_wait3A_158 = tpu.memref_slice %arg33[%dma_wait3A_156, %dma_wait3A_157] : memref<10112x128xf32, #tpu.memory_space<vmem_shared>> -> memref<10112x128xf32, #tpu.memory_space<vmem_shared>>
      tpu.wait_indirect_dma semaphore(%run_scoped3A : memref<!tpu.dma_semaphore, #tpu.memory_space<semaphore_mem>>) src(%arg32 : memref<16x128xf32, #tpu.memory_space<vmem>>) dst(%dma_wait3A_158 : memref<10112x128xf32, #tpu.memory_space<vmem_shared>>)
      tpu.yield
    }) : () -> ()
    %barrier3A_148 = arith.constant 0 : index
    tpu.barrier barrier_id(%barrier3A_148)
    %mul3A_149 = arith.constant 632 : i32
    %mul3A_150 = arith.muli %arg1, %mul3A_149 : i32
    %mul3A_151 = arith.constant 632 : i32
    %mul3A_152 = arith.muli %arg1, %mul3A_151 : i32
    "tpu.region"() ({
      %run_scoped3A = tpu.sem_alloc : memref<!tpu.dma_semaphore, #tpu.memory_space<semaphore_mem>>
      %dma_start3A_153 = arith.constant 0 : i32
      %dma_start3A_154 = tpu.memref_slice %arg7[%arg0, %mul3A_152, %dma_start3A_153] : memref<2x10112x128xf32, #tpu.memory_space<hbm>> -> memref<1x632x128xf32, #tpu.memory_space<hbm>>
      %dma_start3A_155 = tpu.memref_squeeze %dma_start3A_154 : memref<1x632x128xf32, #tpu.memory_space<hbm>> -> memref<632x128xf32, #tpu.memory_space<hbm>>
      %dma_start3A_156 = arith.constant 0 : i32
      %dma_start3A_157 = tpu.memref_slice %arg33[%mul3A_150, %dma_start3A_156] : memref<10112x128xf32, #tpu.memory_space<vmem_shared>> -> memref<632x128xf32, #tpu.memory_space<vmem_shared>>
      tpu.enqueue_dma source(%dma_start3A_157 : memref<632x128xf32, #tpu.memory_space<vmem_shared>>) target(%dma_start3A_155 : memref<632x128xf32, #tpu.memory_space<hbm>>) target_semaphore(%run_scoped3A : memref<!tpu.dma_semaphore, #tpu.memory_space<semaphore_mem>>)
      %dma_wait3A_158 = arith.constant 0 : i32
      %dma_wait3A_159 = tpu.memref_slice %arg7[%arg0, %mul3A_152, %dma_wait3A_158] : memref<2x10112x128xf32, #tpu.memory_space<hbm>> -> memref<1x632x128xf32, #tpu.memory_space<hbm>>
      %dma_wait3A_160 = tpu.memref_squeeze %dma_wait3A_159 : memref<1x632x128xf32, #tpu.memory_space<hbm>> -> memref<632x128xf32, #tpu.memory_space<hbm>>
      %dma_wait3A_161 = arith.constant 0 : i32
      %dma_wait3A_162 = tpu.memref_slice %arg33[%mul3A_150, %dma_wait3A_161] : memref<10112x128xf32, #tpu.memory_space<vmem_shared>> -> memref<632x128xf32, #tpu.memory_space<vmem_shared>>
      tpu.wait_dma2 semaphore(%run_scoped3A : memref<!tpu.dma_semaphore, #tpu.memory_space<semaphore_mem>>) src(%dma_wait3A_162 : memref<632x128xf32, #tpu.memory_space<vmem_shared>>) dst(%dma_wait3A_160 : memref<632x128xf32, #tpu.memory_space<hbm>>)
      tpu.yield
    }) : () -> ()
    return
  }
}

module attributes {stable_mosaic.version = 14 : i64} {
  func.func @_dense_body(%arg0: i32, %arg1: memref<1x2000x128xf32, #tpu.memory_space<vmem>>, %arg2: memref<1x2000x128xf32, #tpu.memory_space<vmem>>, %arg3: memref<2000x128xf32, #tpu.memory_space<vmem>>, %arg4: memref<2000x1xf32, #tpu.memory_space<vmem>>, %arg5: memref<128x128xf32, #tpu.memory_space<vmem>>, %arg6: memref<128x384xf32, #tpu.memory_space<vmem>>, %arg7: memref<128x384xf32, #tpu.memory_space<vmem>>, %arg8: memref<128x384xf32, #tpu.memory_space<vmem>>, %arg9: memref<1x384xf32, #tpu.memory_space<vmem>>, %arg10: memref<1x384xf32, #tpu.memory_space<vmem>>, %arg11: memref<2000x128xf32, #tpu.memory_space<vmem>>) attributes {dimension_semantics = [#tpu.dimension_semantics<arbitrary>], iteration_bounds = array<i64: 5>, scalar_prefetch = 0 : i64, scratch_operands = 0 : i64, tpu.core_type = #tpu.core_type<tc>, window_params = [{transform_indices = @transform_0, window_bounds = array<i64: 1, 2000, 128>}, {transform_indices = @transform_1, window_bounds = array<i64: 1, 2000, 128>}, {transform_indices = @transform_2, window_bounds = array<i64: 2000, 128>}, {transform_indices = @transform_3, window_bounds = array<i64: 2000, 1>}, {pipeline_mode = #tpu.pipeline_mode<synchronous>, transform_indices = @transform_4, window_bounds = array<i64: 128, 128>}, {pipeline_mode = #tpu.pipeline_mode<synchronous>, transform_indices = @transform_5, window_bounds = array<i64: 128, 384>}, {pipeline_mode = #tpu.pipeline_mode<synchronous>, transform_indices = @transform_6, window_bounds = array<i64: 128, 384>}, {pipeline_mode = #tpu.pipeline_mode<synchronous>, transform_indices = @transform_7, window_bounds = array<i64: 128, 384>}, {pipeline_mode = #tpu.pipeline_mode<synchronous>, transform_indices = @transform_8, window_bounds = array<i64: 1, 384>}, {pipeline_mode = #tpu.pipeline_mode<synchronous>, transform_indices = @transform_9, window_bounds = array<i64: 1, 384>}, {transform_indices = @transform_10, window_bounds = array<i64: 2000, 128>}]} {
    %get3A = arith.constant 0 : index
    %get3A_0 = arith.constant 0 : index
    %get3A_1 = arith.constant 0 : index
    %get3A_2 = vector.load %arg1[%get3A, %get3A_0, %get3A_1] : memref<1x2000x128xf32, #tpu.memory_space<vmem>>, vector<1x2000x128xf32>
    %get3A_3 = vector.shape_cast %get3A_2 : vector<1x2000x128xf32> to vector<2000x128xf32>
    %get3A_4 = arith.constant 0 : index
    %get3A_5 = arith.constant 0 : index
    %get3A_6 = arith.constant 0 : index
    %get3A_7 = vector.load %arg2[%get3A_4, %get3A_5, %get3A_6] : memref<1x2000x128xf32, #tpu.memory_space<vmem>>, vector<1x2000x128xf32>
    %get3A_8 = vector.shape_cast %get3A_7 : vector<1x2000x128xf32> to vector<2000x128xf32>
    %add3A = arith.addf %get3A_3, %get3A_8 : vector<2000x128xf32>
    %get3A_9 = arith.constant 0 : index
    %get3A_10 = arith.constant 0 : index
    %get3A_11 = vector.load %arg5[%get3A_9, %get3A_10] : memref<128x128xf32, #tpu.memory_space<vmem>>, vector<128x128xf32>
    %dot_general3A = arith.constant dense<0.000000e+00> : vector<2000x128xf32>
    %dot_general3A_12 = tpu.matmul %add3A, %get3A_11, %dot_general3A {dimension_numbers = #tpu.dot_dimension_numbers<[1], [0], [0], [1], [0, 0, 1, 1], [], []>, transpose_lhs_hint = false} : vector<2000x128xf32>, vector<128x128xf32>, vector<2000x128xf32> -> vector<2000x128xf32>
    %get3A_13 = arith.constant 0 : index
    %get3A_14 = arith.constant 0 : index
    %get3A_15 = vector.load %arg4[%get3A_13, %get3A_14] : memref<2000x1xf32, #tpu.memory_space<vmem>>, vector<2000x1xf32>
    %mul3A = vector.broadcast %get3A_15 : vector<2000x1xf32> to vector<2000x128xf32>
    %mul3A_16 = arith.mulf %dot_general3A_12, %mul3A : vector<2000x128xf32>
    %get3A_17 = arith.constant 0 : index
    %get3A_18 = arith.constant 0 : index
    %get3A_19 = vector.load %arg3[%get3A_17, %get3A_18] : memref<2000x128xf32, #tpu.memory_space<vmem>>, vector<2000x128xf32>
    %get3A_20 = arith.constant 0 : index
    %get3A_21 = arith.constant 0 : index
    %get3A_22 = vector.load %arg6[%get3A_20, %get3A_21] : memref<128x384xf32, #tpu.memory_space<vmem>>, vector<128x384xf32>
    %dot_general3A_23 = arith.constant dense<0.000000e+00> : vector<2000x384xf32>
    %dot_general3A_24 = tpu.matmul %mul3A_16, %get3A_22, %dot_general3A_23 {dimension_numbers = #tpu.dot_dimension_numbers<[1], [0], [0], [1], [0, 0, 1, 1], [], []>, transpose_lhs_hint = false} : vector<2000x128xf32>, vector<128x384xf32>, vector<2000x384xf32> -> vector<2000x384xf32>
    %get3A_25 = arith.constant 0 : index
    %get3A_26 = arith.constant 0 : index
    %get3A_27 = vector.load %arg7[%get3A_25, %get3A_26] : memref<128x384xf32, #tpu.memory_space<vmem>>, vector<128x384xf32>
    %dot_general3A_28 = arith.constant dense<0.000000e+00> : vector<2000x384xf32>
    %dot_general3A_29 = tpu.matmul %get3A_19, %get3A_27, %dot_general3A_28 {dimension_numbers = #tpu.dot_dimension_numbers<[1], [0], [0], [1], [0, 0, 1, 1], [], []>, transpose_lhs_hint = false} : vector<2000x128xf32>, vector<128x384xf32>, vector<2000x384xf32> -> vector<2000x384xf32>
    %add3A_30 = arith.addf %dot_general3A_24, %dot_general3A_29 : vector<2000x384xf32>
    %get3A_31 = arith.constant 0 : index
    %get3A_32 = arith.constant 0 : index
    %get3A_33 = vector.load %arg9[%get3A_31, %get3A_32] : memref<1x384xf32, #tpu.memory_space<vmem>>, vector<1x384xf32>
    %add3A_34 = vector.broadcast %get3A_33 : vector<1x384xf32> to vector<2000x384xf32>
    %add3A_35 = arith.addf %add3A_30, %add3A_34 : vector<2000x384xf32>
    %get3A_36 = arith.constant 0 : index
    %get3A_37 = arith.constant 0 : index
    %get3A_38 = vector.load %arg8[%get3A_36, %get3A_37] : memref<128x384xf32, #tpu.memory_space<vmem>>, vector<128x384xf32>
    %dot_general3A_39 = arith.constant dense<0.000000e+00> : vector<2000x384xf32>
    %dot_general3A_40 = tpu.matmul %get3A_19, %get3A_38, %dot_general3A_39 {dimension_numbers = #tpu.dot_dimension_numbers<[1], [0], [0], [1], [0, 0, 1, 1], [], []>, transpose_lhs_hint = false} : vector<2000x128xf32>, vector<128x384xf32>, vector<2000x384xf32> -> vector<2000x384xf32>
    %get3A_41 = arith.constant 0 : index
    %get3A_42 = arith.constant 0 : index
    %get3A_43 = vector.load %arg10[%get3A_41, %get3A_42] : memref<1x384xf32, #tpu.memory_space<vmem>>, vector<1x384xf32>
    %add3A_44 = vector.broadcast %get3A_43 : vector<1x384xf32> to vector<2000x384xf32>
    %add3A_45 = arith.addf %dot_general3A_40, %add3A_44 : vector<2000x384xf32>
    %slice3A = vector.extract_strided_slice %add3A_35 {offsets = [0, 0], sizes = [2000, 128], strides = [1, 1]} : vector<2000x384xf32> to vector<2000x128xf32>
    %slice3A_46 = vector.extract_strided_slice %add3A_45 {offsets = [0, 0], sizes = [2000, 128], strides = [1, 1]} : vector<2000x384xf32> to vector<2000x128xf32>
    %add3A_47 = arith.addf %slice3A, %slice3A_46 : vector<2000x128xf32>
    %logistic3A = arith.negf %add3A_47 : vector<2000x128xf32>
    %logistic3A_48 = math.exp %logistic3A : vector<2000x128xf32>
    %logistic3A_49 = arith.constant 1.000000e+00 : f32
    %logistic3A_50 = vector.broadcast %logistic3A_49 : f32 to vector<2000x128xf32>
    %logistic3A_51 = arith.addf %logistic3A_50, %logistic3A_48 : vector<2000x128xf32>
    %logistic3A_52 = arith.divf %logistic3A_50, %logistic3A_51 : vector<2000x128xf32>
    %slice3A_53 = vector.extract_strided_slice %add3A_35 {offsets = [0, 128], sizes = [2000, 128], strides = [1, 1]} : vector<2000x384xf32> to vector<2000x128xf32>
    %slice3A_54 = vector.extract_strided_slice %add3A_45 {offsets = [0, 128], sizes = [2000, 128], strides = [1, 1]} : vector<2000x384xf32> to vector<2000x128xf32>
    %add3A_55 = arith.addf %slice3A_53, %slice3A_54 : vector<2000x128xf32>
    %logistic3A_56 = arith.negf %add3A_55 : vector<2000x128xf32>
    %logistic3A_57 = math.exp %logistic3A_56 : vector<2000x128xf32>
    %logistic3A_58 = arith.constant 1.000000e+00 : f32
    %logistic3A_59 = vector.broadcast %logistic3A_58 : f32 to vector<2000x128xf32>
    %logistic3A_60 = arith.addf %logistic3A_59, %logistic3A_57 : vector<2000x128xf32>
    %logistic3A_61 = arith.divf %logistic3A_59, %logistic3A_60 : vector<2000x128xf32>
    %slice3A_62 = vector.extract_strided_slice %add3A_35 {offsets = [0, 256], sizes = [2000, 128], strides = [1, 1]} : vector<2000x384xf32> to vector<2000x128xf32>
    %slice3A_63 = vector.extract_strided_slice %add3A_45 {offsets = [0, 256], sizes = [2000, 128], strides = [1, 1]} : vector<2000x384xf32> to vector<2000x128xf32>
    %mul3A_64 = arith.mulf %logistic3A_52, %slice3A_63 : vector<2000x128xf32>
    %add3A_65 = arith.addf %slice3A_62, %mul3A_64 : vector<2000x128xf32>
    %tanh3A = math.tanh %add3A_65 : vector<2000x128xf32>
    %sub3A = arith.constant 1.000000e+00 : f32
    %sub3A_66 = vector.broadcast %sub3A : f32 to vector<2000x128xf32>
    %sub3A_67 = arith.subf %sub3A_66, %logistic3A_61 : vector<2000x128xf32>
    %mul3A_68 = arith.mulf %sub3A_67, %tanh3A : vector<2000x128xf32>
    %mul3A_69 = arith.mulf %logistic3A_61, %get3A_19 : vector<2000x128xf32>
    %add3A_70 = arith.addf %mul3A_68, %mul3A_69 : vector<2000x128xf32>
    %max3A = arith.constant 0.000000e+00 : f32
    %max3A_71 = vector.broadcast %max3A : f32 to vector<2000x128xf32>
    %max3A_72 = arith.maximumf %add3A_70, %max3A_71 : vector<2000x128xf32>
    %mul3A_73 = arith.mulf %max3A_72, %max3A_72 : vector<2000x128xf32>
    %reduce_sum3A = arith.constant dense<0.000000e+00> : vector<2000xf32>
    %reduce_sum3A_74 = vector.multi_reduction <add>, %mul3A_73, %reduce_sum3A [1] : vector<2000x128xf32> to vector<2000xf32>
    %broadcast_in_dim3A = vector.shape_cast %reduce_sum3A_74 : vector<2000xf32> to vector<2000x1xf32>
    %sqrt3A = math.sqrt %broadcast_in_dim3A : vector<2000x1xf32>
    %max3A_75 = arith.constant 9.99999996E-13 : f32
    %max3A_76 = vector.broadcast %max3A_75 : f32 to vector<2000x1xf32>
    %max3A_77 = arith.maximumf %sqrt3A, %max3A_76 : vector<2000x1xf32>
    %div3A = vector.broadcast %max3A_77 : vector<2000x1xf32> to vector<2000x128xf32>
    %div3A_78 = arith.divf %max3A_72, %div3A : vector<2000x128xf32>
    %swap3A = arith.constant 0 : index
    %swap3A_79 = arith.constant 0 : index
    %swap3A_80 = vector.load %arg11[%swap3A, %swap3A_79] : memref<2000x128xf32, #tpu.memory_space<vmem>>, vector<2000x128xf32>
    tpu.vector_store %arg11[%swap3A, %swap3A_79], %div3A_78 {strides = array<i32>} : memref<2000x128xf32, #tpu.memory_space<vmem>>, vector<2000x128xf32>,
    return
  }
  func.func @transform_0(%arg0: i32) -> (i32, i32, i32) {
    %c0_i32 = arith.constant 0 : i32
    %c0_i32_0 = arith.constant 0 : i32
    %c0_i32_1 = arith.constant 0 : i32
    return %c0_i32, %arg0, %c0_i32_0 : i32, i32, i32
  }
  func.func @transform_1(%arg0: i32) -> (i32, i32, i32) {
    %c1_i32 = arith.constant 1 : i32
    %c0_i32 = arith.constant 0 : i32
    %c0_i32_0 = arith.constant 0 : i32
    return %c1_i32, %arg0, %c0_i32 : i32, i32, i32
  }
  func.func @transform_2(%arg0: i32) -> (i32, i32) {
    %c0_i32 = arith.constant 0 : i32
    %c0_i32_0 = arith.constant 0 : i32
    return %arg0, %c0_i32 : i32, i32
  }
  func.func @transform_3(%arg0: i32) -> (i32, i32) {
    %c0_i32 = arith.constant 0 : i32
    %c0_i32_0 = arith.constant 0 : i32
    return %arg0, %c0_i32 : i32, i32
  }
  func.func @transform_4(%arg0: i32) -> (i32, i32) {
    %c0_i32 = arith.constant 0 : i32
    %c0_i32_0 = arith.constant 0 : i32
    %c0_i32_1 = arith.constant 0 : i32
    return %c0_i32, %c0_i32_0 : i32, i32
  }
  func.func @transform_5(%arg0: i32) -> (i32, i32) {
    %c0_i32 = arith.constant 0 : i32
    %c0_i32_0 = arith.constant 0 : i32
    %c0_i32_1 = arith.constant 0 : i32
    return %c0_i32, %c0_i32_0 : i32, i32
  }
  func.func @transform_6(%arg0: i32) -> (i32, i32) {
    %c0_i32 = arith.constant 0 : i32
    %c0_i32_0 = arith.constant 0 : i32
    %c0_i32_1 = arith.constant 0 : i32
    return %c0_i32, %c0_i32_0 : i32, i32
  }
  func.func @transform_7(%arg0: i32) -> (i32, i32) {
    %c0_i32 = arith.constant 0 : i32
    %c0_i32_0 = arith.constant 0 : i32
    %c0_i32_1 = arith.constant 0 : i32
    return %c0_i32, %c0_i32_0 : i32, i32
  }
  func.func @transform_8(%arg0: i32) -> (i32, i32) {
    %c0_i32 = arith.constant 0 : i32
    %c0_i32_0 = arith.constant 0 : i32
    %c0_i32_1 = arith.constant 0 : i32
    return %c0_i32, %c0_i32_0 : i32, i32
  }
  func.func @transform_9(%arg0: i32) -> (i32, i32) {
    %c0_i32 = arith.constant 0 : i32
    %c0_i32_0 = arith.constant 0 : i32
    %c0_i32_1 = arith.constant 0 : i32
    return %c0_i32, %c0_i32_0 : i32, i32
  }
  func.func @transform_10(%arg0: i32) -> (i32, i32) {
    %c0_i32 = arith.constant 0 : i32
    %c0_i32_0 = arith.constant 0 : i32
    return %arg0, %c0_i32 : i32, i32
  }
}

</mosaic_0001>

<sc_bundles>
// kernel: kernel.4.cloned.1.call-start
scs
__scs_entry_jumppad:
0x0: {  	(pc) =	sbr.rel $0x88, $3  }
0x1: {  	(tag) =	ssettag $0x0;
	lr =	simm.s32 $0x1  }
0x2: {  	[smem:$0x3F97] =	sst lr;
	_ =	strace $0xD0000000  }
0x3: {  	_ = 	snop  }
0x4: {  	_ = 	snop  }
0x5: {  	_ = 	snop  }
0x6: {  	_ = 	snop  }
0x7: {  	_ = 	snop  }
__scs_overlays_trampoline_lowered:
0x8: {  	[smem:$0x3FA6] =	sst s0  }
0x9: {  	[smem:$0x3FA7] =	sst s1  }
0xa: {  	[smem:$0x3FA8] =	sst s2  }
0xb: {  	[smem:$0x3FA9] =	sst s3  }
0xc: {  	[smem:$0x3FAA] =	sst s4  }
0xd: {  	[smem:$0x3FAB] =	sst s5  }
0xe: {  	[smem:$0x3FAC] =	sst s6  }
0xf: {  	[smem:$0x3FAD] =	sst s7  }
0x10: {  	[smem:$0x3FAE] =	sst s8  }
0x11: {  	[smem:$0x3FAF] =	sst s9;
	s0 =	simm.s32 @!p0 $0x0  }
0x12: {  	s1 =	sld [smem:$0x3F95];
	s0 =	simm.s32 @p0 $0x1  }
0x13: {  	[smem:$0x3FB0] =	sst s0;
	s0 =	simm.s32 @!p1 $0x0  }
0x14: {  	s2 =	sld [smem:$0x3F94];
	s0 =	simm.s32 @p1 $0x1  }
0x15: {  	[smem:$0x3FB1] =	sst s0;
	s0 =	simm.s32 @!p2 $0x0  }
0x16: {  	s3 =	sld [smem:$0x3FDB];
	s0 =	simm.s32 @p2 $0x1  }
0x17: {  	s4 =	simm.s32 $0x1BF5;
	[smem:$0x3FB3] =	sst s0  }
0x18: {  	s0 =	sld [smem:$0x3F96];
	_ =	swait.ge [sflag:s4], $0x0  }
0x19: {  	s7 =	sld [smem:$0x3F97]  }
0x1a: {  	s8 =	sadd.s32 $0xFFFFE003, lr  }
0x1b: {  	s9 =	sadd.s32 $0xFFFFFEF7, lr;
	s5 =	simm.s32 $0xFFFFFFFF;
	p2 =	slt.u32 s8, $0xFFFFF086  }
0x1c: {  	p1 =	slt.u32 s9, $0xF7A;
	s5 =	simm.s32 @!p2 $0x0  }
0x1d: {  	s5 =	simm.s32 @p1 $0x1;
	p0 =	seq.s32 s7, s2  }
0x1e: {  	s7 =	smul.u32 @!p0 $0xF7A, s2;
	p2 =	seq.s32 @!p0 s5, $0x0  }
0x1f: {  	s9 =	smul.u32 $0xF7A, s1;
	s8 =	simm.s32 @!p0 $0x1BF5;
	p2 =	por !p2, p0  }
0x20: {  	[sflag:s8] =	ssyncset.s32 @!p0 $0xFFFFF086;
	s6 =	sadd.s32 @!p0 s3, s7;
	s7 =	simm.s32 @!p0 $0x108  }
0x21: {  	s3 =	sadd.s32 s3, s9;
	s6 =	sadd.s32 @!p0 $0x88, s6;
	s7 =	simm.s32 @p2 $0x1082  }
0x22: {  	[simem:s7], [sflag:s8] =	dma.local @!p0 [hbm:s6], $0xF7A  }
0x23: {  	s9 =	sor.u32 $0xD0000000, s2;
	s6 =	simm.s32 $0x108;
	_ =	swait.ge @!p0 [sflag:s8], $0x0  }
0x24: {  	s3 =	sadd.s32 $0x88, s3;
	s6 =	simm.s32 @!p1 $0x1082;
	[sflag:s4] =	ssyncset.s32 $0xFFFFF086  }
0x25: {  	[simem:s6], [sflag:s4] =	dma.local [hbm:s3], $0xF7A  }
0x26: {  	[smem:$0x3F97] =	sst s1;
	(tag) =	ssettag s2;
	_ =	strace s9  }
0x27: {  	s1 =	sld [smem:$0x3FA7]  }
0x28: {  	s2 =	sld [smem:$0x3FA8]  }
0x29: {  	s4 =	sld [smem:$0x3FAA]  }
0x2a: {  	p0 =	seq.s32 s5, $0x0;
	s5 =	sld [smem:$0x3FAB]  }
0x2b: {  	s6 =	sld [smem:$0x3FAC]  }
0x2c: {  	s7 =	sld [smem:$0x3FAD]  }
0x2d: {  	s3 =	simm.s32 $0x108;
	s8 =	sld [smem:$0x3FAE]  }
0x2e: {  	s3 =	simm.s32 @!p0 $0x1082;
	s9 =	sld [smem:$0x3FAF]  }
0x2f: {  	lr =	sadd.s32 s0, s3;
	s0 =	sld [smem:$0x3FA6]  }
0x30: {  	s3 =	sld [smem:$0x3FA9]  }
0x31: {  	[smem:$0x3FB2] =	sst s10  }
0x32: {  	s10 =	sld [smem:$0x3FB0];
	_ =	sdelay $0x3  }
0x33: {  	p0 =	seq.s32 s10, $0x1;
	s10 =	sld [smem:$0x3FB2];
	_ =	sdelay $0x3  }
0x34: {  	[smem:$0x3FB2] =	sst s10  }
0x35: {  	s10 =	sld [smem:$0x3FB1];
	_ =	sdelay $0x3  }
0x36: {  	p1 =	seq.s32 s10, $0x1;
	s10 =	sld [smem:$0x3FB2];
	_ =	sdelay $0x3  }
0x37: {  	[smem:$0x3FB2] =	sst s10  }
0x38: {  	s10 =	sld [smem:$0x3FB3]  }
0x39: {  	_ = 	snop;
	(pc) =	sbr.ind lr, $3  }
0x3a: {  	_ = 	snop  }
0x3b: {  	_ = 	snop  }
0x3c: {  	p2 =	seq.s32 s10, $0x1;
	s10 =	sld [smem:$0x3FB2]  }
0x3d: {  	_ =	shalt  }
0x3e: {  	_ =	shalt  }
0x3f: {  	_ =	shalt  }
0x40: {  	_ =	shalt  }
0x41: {  	_ =	shalt  }
0x42: {  	_ =	shalt  }
0x43: {  	_ =	shalt  }
0x44: {  	_ =	shalt  }
0x45: {  	_ =	shalt  }
0x46: {  	_ =	shalt  }
0x47: {  	_ =	shalt  }
0x48: {  	_ =	shalt  }
0x49: {  	_ =	shalt  }
0x4a: {  	_ =	shalt  }
0x4b: {  	_ =	shalt  }
0x4c: {  	_ =	shalt  }
0x4d: {  	_ =	shalt  }
0x4e: {  	_ =	shalt  }
0x4f: {  	_ =	shalt  }
0x50: {  	_ =	shalt  }
0x51: {  	_ =	shalt  }
0x52: {  	_ =	shalt  }
0x53: {  	_ =	shalt  }
0x54: {  	_ =	shalt  }
0x55: {  	_ =	shalt  }
0x56: {  	_ =	shalt  }
0x57: {  	_ =	shalt  }
0x58: {  	_ =	shalt  }
0x59: {  	_ =	shalt  }
0x5a: {  	_ =	shalt  }
0x5b: {  	_ =	shalt  }
0x5c: {  	_ =	shalt  }
0x5d: {  	_ =	shalt  }
0x5e: {  	_ =	shalt  }
0x5f: {  	_ =	shalt  }
0x60: {  	_ =	shalt  }
0x61: {  	_ =	shalt  }
0x62: {  	_ =	shalt  }
0x63: {  	_ =	shalt  }
0x64: {  	_ =	shalt  }
0x65: {  	_ =	shalt  }
0x66: {  	_ =	shalt  }
0x67: {  	_ =	shalt  }
0x68: {  	_ =	shalt  }
0x69: {  	_ =	shalt  }
0x6a: {  	_ =	shalt  }
0x6b: {  	_ =	shalt  }
0x6c: {  	_ =	shalt  }
0x6d: {  	_ =	shalt  }
0x6e: {  	_ =	shalt  }
0x6f: {  	_ =	shalt  }
0x70: {  	_ =	shalt  }
0x71: {  	_ =	shalt  }
0x72: {  	_ =	shalt  }
0x73: {  	_ =	shalt  }
0x74: {  	_ =	shalt  }
0x75: {  	_ =	shalt  }
0x76: {  	_ =	shalt  }
0x77: {  	_ =	shalt  }
0x78: {  	_ =	shalt  }
0x79: {  	_ =	shalt  }
0x7a: {  	_ =	shalt  }
0x7b: {  	_ =	shalt  }
0x7c: {  	_ =	shalt  }
0x7d: {  	_ =	shalt  }
0x7e: {  	_ =	shalt  }
0x7f: {  	_ =	shalt  }
0x80: {  	_ =	shalt  }
0x81: {  	_ =	shalt  }
0x82: {  	_ =	shalt  }
0x83: {  	_ =	shalt  }
0x84: {  	_ =	shalt  }
0x85: {  	_ =	shalt  }
0x86: {  	_ =	shalt  }
0x87: {  	_ =	shalt  }
.Lfunc_end0:
.L_simem_size_0:
called_computation_lowered:
.L_overlay_start_0:
0x88: {  	s2 =	sld [smem:$0x3FD9]  }
0x89: {  	s3 =	sld [smem:$0x3FFE];
	_ =	sdelay $0x1  }
0x8a: {  	s1 =	srdreg.scid  }
0x8b: {  	s0 =	sand.u32 $0x1, s1  }
0x8c: {  	s17 =	sshll.u32 s0, $0xA;
	s2 =	sadd.s32 s3, s2  }
0x8d: {  	s2 =	sadd.s32 s2, s17  }
0x8e: {  	[smem:$0x3FBE] =	sst s2  }
0x8f: {  	_ = 	snop  }
0x90: {  	s2 =	sld [smem:$0x3FC9]  }
0x91: {  	s18 =	sld [smem:$0x3FC8]  }
0x92: {  	s4 =	sld [smem:$0x3FD0];
	(tm) =	ssettm $0x1  }
0x93: {  	s5 =	sld [smem:$0x3FFB];
	_ =	sdelay $0x3  }
0x94: {  	_ =	strace s5  }
0x95: {  	s5 =	sld [smem:$0x3FFC];
	_ =	sdelay $0x3  }
0x96: {  	_ =	strace s5  }
0x97: {  	s5 =	sld [smem:$0x3FFD];
	_ =	sdelay $0x3  }
0x98: {  	_ =	strace s5  }
0x99: {  	_ =	strace $0x8FFFFFFF  }
0x9a: {  	s19 =	sld [smem:$0x3FDB];
	_ =	sdelay $0x1  }
0x9b: {  	s6 =	simm.s32 $_scs_section_size  }
0x9c: {  	s7 =	simm.s32 $_size__tile_overlayer_lowered;
	s8 =	simm.s32 $_tile_overlayer_lowered  }
0x9d: {  	s22 =	simm.s32 $0x1BFF;
	s21 =	sshll.u32 s8, $0x1;
	s5 =	sadd.s32 s6, s19  }
0x9e: {  	s9 =	simm.s32 $0x0;
	s20 =	sshll.u32 s7, $0x1;
	s7 =	sadd.s32 s21, s5  }
0x9f: {  	[timem:s9], [sflag:s22] =	dma.local [hbm:s7], s20  }
0xa0: {  	_ =	swait.ge [sflag:s22], s20  }
0xa1: {  	s6 =	ssub.s32 $0x0, s20;
	[sflag:s22] =	ssyncset.done $0x0  }
0xa2: {  	[sflag:s22] =	ssyncadd.s32 s6;
	_ =	sdelay $0x1  }
0xa3: {  	s23 =	simm.s32 $0x1B8B  }
0xa4: {  	_ =	swait.ge [sflag:s23], $0x1  }
0xa5: {  	[sflag:s23] =	ssyncset.done $0x0  }
0xa6: {  	s25 =	simm.s32 $0x1B8E;
	s24 =	sld [smem:$0x3FFE];
	[sflag:s23] =	ssyncadd.s32 $0xFFFFFFFF  }
0xa7: {  	s26 =	simm.s32 $execute0_lowered;
	[smem:$0x3FD2] =	sst s25  }
0xa8: {  	s7 =	sshll.u32 s26, $0x1;
	_ =	strace $0x80000046;
	[dreg:$0x1] =	wrdreg $0xFFFFFFFF  }
0xa9: {  	s28 =	simm.s32 $_size_execute0_lowered;
	s5 =	sadd.s32 s5, s7;
	[dreg:$0x0] =	wrdreg $0x0  }
0xaa: {  	s7 =	sshll.u32 s28, $0x1;
	[dreg:$0x2] =	wrdreg s5  }
0xab: {  	[dreg:$0x3] =	wrdreg s7  }
0xac: {  	[dreg:$0x4] =	wrdreg $0xC0  }
0xad: {  	_ =	task [dreg:s9], $0x5FFFF  }
0xae: {  	[dreg:$0x1] =	wrdreg $0xFFFFFFFF  }
0xaf: {  	[dreg:$0x0] =	wrdreg $0x60  }
0xb0: {  	[dreg:$0x2] =	wrdreg s2  }
0xb1: {  	[dreg:$0x3] =	wrdreg s18  }
0xb2: {  	[dreg:$0x4] =	wrdreg s24  }
0xb3: {  	[dreg:$0x5] =	wrdreg s4  }
0xb4: {  	[dreg:$0x6] =	wrdreg $0xB9000  }
0xb5: {  	[dreg:$0x7] =	wrdreg $0x9  }
0xb6: {  	_ =	task.clear_ibuf [dreg:s9], $0x8FFFF;
	_ =	strace $0x90000046  }
0xb7: {  	s29 =	simm.s32 $0x9;
	_ =	strace $0x80000048  }
0xb8: {  	_ =	swait.ge [sflag:s29], $0x1  }
0xb9: {  	[sflag:s29] =	ssyncadd.s32 $0xFFFFFFFF  }
0xba: {  	_ =	strace $0x90000048  }
0xbb: {  	_ =	sfence  }
0xbc: {  	s30 =	sld [smem:$0x0];
	_ =	sdelay $0x2  }
0xbd: {  	s31 =	sshll.u32 s1, $0xD;
	s1 =	sshrl.u32 s1, $0x2  }
0xbe: {  	s3 =	sand.u32 $0x4000, s31;
	s1 =	sadd.s32 s1, s30  }
0xbf: {  	s0 =	sor.u32 s3, s0;
	s1 =	sshll.u32 s1, $0x11  }
0xc0: {  	s0 =	sor.u32 s1, s0  }
0xc1: {  	s0 =	sadd.s32 $0x8F2B, s0  }
0xc2: {  	[sflag:s0] =	ssyncadd.remote.s32 $0x1  }
0xc3: {  	_ =	sfence.sel $0xFFFF  }
0xc4: {  	[dreg:$0x0] =	wrdreg $0xFFFFFFFF;
	(pc) =	sbr.abs _section_cstart, $3  }
0xc5: {  	[dreg:$0x1] =	wrdreg $0xFFFFFFFF  }
0xc6: {  	_ =	task.clear_ibuf [dreg:s9], $0x2FFFF;
	_ =	strace $0x9FFFFFFF  }
0xc7: {  	(tm) =	ssettm $0x7FFFFFFF  }
tec
execute0_lowered:
.L_overlay_start_1:
0x0: {  	(tag) =	ssettag $0x1  }
0x1: {  	s1 =	rddreg [dreg:$0x0]  }
0x2: {  	s0 =	rddreg [dreg:$0x2]  }
0x3: {  	s11 =	rddreg [dreg:$0x3]  }
0x4: {  	s4 =	rddreg [dreg:$0x4];
	s2 =	srdreg.scid  }
0x5: {  	s6 =	simm.s32 $0x0;
	s12 =	stileid.u32;
	s30 =	simm.s32 $0x8F80  }
0x6: {  	s31 =	simm.s32 $0xA;
	s2 =	sand.u32 $0x1, s2;
	s5 =	smul.u32 $0x13C00, s12  }
0x7: {  	[smem:$0x7FF] =	sst s6;
	s7 =	sadd.s32 $0x1400, s0;
	s10 =	smul.u32 $0x4F000, s12  }
0x8: {  	s13 =	sadd.s32 $0xB200, s0;
	s20 =	sshll.u32 s12, $0x6;
	s3 =	smul.u32 $0x13C000, s2  }
0x9: {  	s8 =	sshll.u32 s2, $0x4;
	_ =	strace $0x80000047;
	s18 =	ssub.s32 $0x2, s2  }
0xa: {  	[dreg:$0x6] =	wrdreg s13;
	s15 =	sor.u32 $0x1C0D, s20;
	s2 =	smul.u32 $0x27100, s2  }
0xb: {  	s8 =	sor.u32 s12, s8;
	s9 =	sshrl.u32 s18, $0x1;
	s19 =	sshrl.u32 s10, $0x2  }
0xc: {  	s12 =	smul.u32 $0x2710, s12;
	[dreg:$0x8] =	wrdreg s15;
	s3 =	sadd.s32 s5, s3  }
0xd: {  	s8 =	smul.u32 $0x2710, s8;
	s5 =	sadd.s32 s19, s4;
	s3 =	sshrl.u32 s3, $0x3  }
0xe: {  	[dreg:$0x7] =	wrdreg s5;
	s2 =	sadd.s32 s12, s2;
	s0 =	sadd.s32 s3, s0  }
0xf: {  	s3 =	ssub.s32 s18, s9;
	s8 =	sshrl.u32 s8, $0x3;
	s18 =	sadd.s32 $0x1C0, s2  }
0x10: {  	s19 =	sadd.s32 $0x180, s2;
	s20 =	sadd.s32 $0x140, s2;
	s9 =	simm.s32 $0x2F80  }
0x11: {  	s21 =	sadd.s32 $0x8, s8;
	s22 =	sadd.s32 s7, s8;
	s23 =	sadd.s32 s11, s8  }
0x12: {  	s25 =	sadd.s32 $0x10, s8;
	s10 =	sadd.s32 $0x18, s8;
	s14 =	sadd.s32 $0x4E0, s8  }
0x13: {  	s0 =	sadd.s32 $0xDA00, s0;
	s3 =	smax.u32 s3, $0x1;
	[dreg:$0x9] =	wrdreg s22  }
0x14: {  	s8 =	simm.s32 $0x40;
	[dreg:$0xa] =	wrdreg s23;
	s24 =	sadd.s32 s7, s21  }
0x15: {  	s5 =	sadd.s32 s11, s21;
	s26 =	sadd.s32 s7, s25;
	[dreg:$0x13] =	wrdreg s0  }
0x16: {  	s13 =	sadd.s32 s7, s10;
	s16 =	sadd.s32 s11, s10;
	[dreg:$0x14] =	wrdreg s3  }
0x17: {  	s17 =	sadd.s32 s7, s14;
	s0 =	sshrl.u32 s18, $0x3;
	[dreg:$0xb] =	wrdreg s24  }
0x18: {  	s3 =	sshrl.u32 s19, $0x3;
	s21 =	sshrl.u32 s20, $0x3;
	[dreg:$0xc] =	wrdreg s5  }
0x19: {  	s22 =	sadd.s32 $0x100, s2;
	s18 =	simm.s32 $0x6F80;
	[dreg:$0xd] =	wrdreg s26  }
0x1a: {  	s19 =	simm.s32 $0x6;
	s20 =	simm.s32 $0x2E00;
	[dreg:$0xf] =	wrdreg s13  }
0x1b: {  	s10 =	simm.s32 $0x8;
	s2 =	simm.s32 $0x2F00;
	[dreg:$0x10] =	wrdreg s16  }
0x1c: {  	s5 =	sadd.s32 s11, s25;
	[dreg:$0x11] =	wrdreg s17;
	s23 =	sadd.s32 s0, s11  }
0x1d: {  	s24 =	sadd.s32 s0, s7;
	s25 =	sadd.s32 s3, s11;
	s26 =	sadd.s32 s3, s7  }
.Ltmp0:
0x1e: {  	s28 =	sadd.s32 s21, s11;
	s29 =	sadd.s32 s21, s7;
	(pc) =	sbr.rel .LBB2_1-.Ltmp0, $4  }
0x1f: {  	[dreg:$0x15] =	wrdreg s22;
	s3 =	simm.s32 $0xD;
	s13 =	simm.s32 $0x4F80  }
0x20: {  	s16 =	simm.s32 $0x3;
	s21 =	simm.s32 $0x4;
	s22 =	simm.s32 $0x2D00  }
0x21: {  	[dreg:$0xe] =	wrdreg s5;
	s5 =	sadd.s32 s11, s14;
	s11 =	simm.s32 $0x2  }
0x22: {  	s14 =	simm.s32 $0x5;
	[dreg:$0x12] =	wrdreg s5;
	s5 =	simm.s32 $0x0  }
.LBB2_4:
0x23: {  	s0 =	simm.s32 $0x9  }
0x24: {  	_ =	swait.ge [sflag:s0], $0x2000  }
0x25: {  	[sflag:s0] =	ssyncset.done $0x0  }
0x26: {  	[sflag:s0] =	ssyncadd.s32 $0xFFFFE000  }
0x27: {  	_ =	swait.ge [sflag:s31], $0x2000  }
0x28: {  	[sflag:s31] =	ssyncset.done $0x0  }
0x29: {  	s3 =	simm.s32 $0xB;
	[sflag:s31] =	ssyncadd.s32 $0xFFFFE000  }
0x2a: {  	_ =	swait.ge [sflag:s3], $0x2000  }
0x2b: {  	[sflag:s3] =	ssyncset.done $0x0  }
0x2c: {  	s5 =	simm.s32 $0xC;
	[sflag:s3] =	ssyncadd.s32 $0xFFFFE000  }
0x2d: {  	_ =	swait.ge [sflag:s5], $0x2000  }
0x2e: {  	[sflag:s5] =	ssyncset.done $0x0  }
0x2f: {  	s3 =	simm.s32 $0xAF80;
	s12 =	rddreg [dreg:$0x11];
	[sflag:s5] =	ssyncadd.s32 $0xFFFFE000  }
0x30: {  	[tilespmem:s3], [sflag:$0xD] =	stream.linear.gather [hbm4b:s12+s6], $0x10, $0x38;
	[tilespmem:$0x1F500] =	vst v63  }
0x31: {  	s3 =	simm.s32 $0xD  }
0x32: {  	_ =	swait.ge [sflag:s3], $0x10  }
0x33: {  	[sflag:s3] =	ssyncset.done $0x0  }
0x34: {  	s5 =	simm.s32 $0xB000;
	s15 =	rddreg [dreg:$0x12];
	[sflag:s3] =	ssyncadd.s32 $0xFFFFFFF0  }
0x35: {  	[tilespmem:s5], [sflag:$0xD] =	stream.linear.gather [hbm4b:s15+s6], $0x10, $0x38;
	[tilespmem:$0x1F500] =	vst v63  }
0x36: {  	_ =	swait.ge [sflag:s3], $0x10  }
0x37: {  	[sflag:s3] =	ssyncset.done $0x0  }
0x38: {  	[sflag:s3] =	ssyncadd.s32 $0xFFFFFFF0  }
0x39: {  	v0 =	vld [tilespmem:$0xAF80];
	_ =	sdelay $0x7  }
0x3a: {  	v0 =	vld.idx.msk [tilespmem:v0+s6+$0x0], $0xffff;
	_ =	sdelay $0x4  }
0x3b: {  	s17 =	simm.s32 $0x10;
	s12 =	simm.s32 $0xB080;
	s15 =	simm.s32 $0xB100;
	[tilespmem:$0xB080] =	vst v0  }
0x3c: {  	[tilespmem:s15], [sflag:$0x5] =	stream.indirect.gather [hbm4b:s1+s17], $0x80, s12, s17, $0xb8;
	[tilespmem:$0x1F500] =	vst v63  }
0x3d: {  	_ =	swait.ge [sflag:s14], $0x800  }
0x3e: {  	[sflag:s14] =	ssyncset.done $0x0  }
0x3f: {  	[sflag:s14] =	ssyncadd.s32 $0xFFFFF800  }
0x40: {  	[spmem:s4] =	stream.indirect.scatter.add.f32 [tilespmem:s15], [sflag:$0xD], $0x80, s5, s17, $0xb8;
	[tilespmem:$0x1F500] =	vst v63  }
0x41: {  	_ =	swait.ge [sflag:s3], $0x800  }
0x42: {  	[sflag:s3] =	ssyncset.done $0x0  }
0x43: {  	[sflag:s3] =	ssyncadd.s32 $0xFFFFF800  }
0x44: {  	[bflag:$0x0] =	sbarrier.arrive $0xFFFF  }
0x45: {  	s15 =	rddreg [dreg:$0x8]  }
0x46: {  	s12 =	rddreg [dreg:$0x13]  }
0x47: {  	s17 =	rddreg [dreg:$0x17]  }
0x48: {  	[hbm:s12], [sflag:s15] =	dma.local [spmem:s17], $0x2780  }
0x49: {  	_ =	swait.ge [sflag:s3], $0x2780  }
0x4a: {  	s12 =	rddreg [dreg:$0x16]  }
0x4b: {  	s17 =	rddreg [dreg:$0x14];
	s5 =	sadd.s32 $0x1, s12  }
0x4c: {  	p0 =	sne.s32 s5, s17  }
.Ltmp1:
0x4d: {  	_ = 	snop;
	(pc) =	sbr.rel @!p0 .LBB2_5-.Ltmp1, $3  }
0x4e: {  	_ =	sdelay $0x1  }
0x4f: {  	[sflag:s3] =	ssyncset.done $0x0  }
0x50: {  	[sflag:s3] =	ssyncadd.s32 $0xFFFFD880  }
.LBB2_1:
0x51: {  	[dreg:$0x16] =	wrdreg s5  }
0x52: {  	s0 =	rddreg [dreg:$0x7]  }
0x53: {  	s17 =	rddreg [dreg:$0x6];
	s12 =	sshrl.u32 s0, $0x3  }
0x54: {  	[dreg:$0x17] =	wrdreg s12  }
0x55: {  	[spmem:s12], [sflag:s15] =	dma.local [hbm:s17], $0x2780  }
0x56: {  	_ =	swait.ge [sflag:s3], $0x2780  }
0x57: {  	[sflag:s3] =	ssyncset.done $0x0  }
0x58: {  	[sflag:s3] =	ssyncadd.s32 $0xFFFFD880  }
0x59: {  	s12 =	rddreg [dreg:$0x1]  }
0x5a: {  	[tilespmem:s6], [sflag:$0xD] =	stream.linear.gather [hbm4b:s12+s6], $0x2780, $0x38;
	[tilespmem:$0x1F500] =	vst v63  }
0x5b: {  	_ =	swait.ge [sflag:s3], $0x2780  }
0x5c: {  	[sflag:s3] =	ssyncset.done $0x0  }
0x5d: {  	s17 =	simm.s32 $0x2780;
	s15 =	rddreg [dreg:$0x9];
	[sflag:s3] =	ssyncadd.s32 $0xFFFFD880  }
0x5e: {  	[tilespmem:s17], [sflag:$0x1] =	stream.linear.gather [hbm4b:s15+s6], $0x40, $0x38;
	[tilespmem:$0x1F500] =	vst v63  }
0x5f: {  	s12 =	simm.s32 $0x2980;
	s5 =	rddreg [dreg:$0xa]  }
0x60: {  	[tilespmem:s12], [sflag:$0x1] =	stream.linear.gather [hbm4b:s5+s6], $0x40, $0x38;
	[tilespmem:$0x1F500] =	vst v63  }
0x61: {  	s15 =	rddreg [dreg:$0xb];
	s17 =	simm.s32 $0x2800  }
0x62: {  	[tilespmem:s17], [sflag:$0x2] =	stream.linear.gather [hbm4b:s15+s6], $0x40, $0x38;
	[tilespmem:$0x1F500] =	vst v63  }
0x63: {  	s5 =	rddreg [dreg:$0xc];
	s12 =	simm.s32 $0x2A00  }
0x64: {  	[tilespmem:s12], [sflag:$0x2] =	stream.linear.gather [hbm4b:s5+s6], $0x40, $0x38;
	[tilespmem:$0x1F500] =	vst v63  }
0x65: {  	s15 =	rddreg [dreg:$0xd];
	s17 =	simm.s32 $0x2880  }
0x66: {  	[tilespmem:s17], [sflag:$0x3] =	stream.linear.gather [hbm4b:s15+s6], $0x40, $0x38;
	[tilespmem:$0x1F500] =	vst v63  }
0x67: {  	s5 =	rddreg [dreg:$0xe];
	s12 =	simm.s32 $0x2A80  }
0x68: {  	[tilespmem:s12], [sflag:$0x3] =	stream.linear.gather [hbm4b:s5+s6], $0x40, $0x38;
	[tilespmem:$0x1F500] =	vst v63  }
0x69: {  	s15 =	rddreg [dreg:$0xf];
	s17 =	simm.s32 $0x2900  }
0x6a: {  	[tilespmem:s17], [sflag:$0x4] =	stream.linear.gather [hbm4b:s15+s6], $0x40, $0x38;
	[tilespmem:$0x1F500] =	vst v63  }
0x6b: {  	s3 =	rddreg [dreg:$0x10];
	s5 =	simm.s32 $0x2B00;
	s12 =	simm.s32 $0x1  }
0x6c: {  	[tilespmem:s5], [sflag:$0x4] =	stream.linear.gather [hbm4b:s3+s6], $0x40, $0x38;
	[tilespmem:$0x1F500] =	vst v63  }
0x6d: {  	_ =	swait.ge [sflag:s12], $0x40  }
0x6e: {  	[sflag:s12] =	ssyncset.done $0x0  }
0x6f: {  	[sflag:s12] =	ssyncadd.s32 $0xFFFFFFC0  }
0x70: {  	_ =	swait.ge [sflag:s12], $0x40  }
0x71: {  	[sflag:s12] =	ssyncset.done $0x0  }
0x72: {  	[sflag:s12] =	ssyncadd.s32 $0xFFFFFFC0  }
0x73: {  	v0 =	vld [tilespmem:$0x2780];
	_ =	sdelay $0x5  }
0x74: {  	v1 =	vld [tilespmem:$0x2790]  }
0x75: {  	v2 =	vld [tilespmem:$0x2980]  }
0x76: {  	v0 =	vld.idx.msk [tilespmem:v0+s6+$0x0], $0xffff;
	_ =	sdelay $0x3  }
0x77: {  	v51 =	vld [tilespmem:$0x27A0];
	[tilespmem:$0x2D80] =	vst v2  }
0x78: {  	v52 =	vld [tilespmem:$0x2990];
	[tilespmem:$0x2B80] =	vst v0  }
0x79: {  	v1 =	vld.idx.msk [tilespmem:v1+s6+$0x0], $0xffff;
	_ =	sdelay $0x3  }
0x7a: {  	v53 =	vld [tilespmem:$0x27B0];
	[tilespmem:$0x2D90] =	vst v52  }
0x7b: {  	v54 =	vld [tilespmem:$0x29A0];
	[tilespmem:$0x2B90] =	vst v1  }
0x7c: {  	v0 =	vld.idx.msk [tilespmem:v51+s6+$0x0], $0xffff;
	_ =	sdelay $0x3  }
0x7d: {  	[tilespmem:$0x2DA0] =	vst v54  }
0x7e: {  	v55 =	vld [tilespmem:$0x29B0];
	[tilespmem:$0x2BA0] =	vst v0  }
0x7f: {  	v0 =	vld.idx.msk [tilespmem:v53+s6+$0x0], $0xffff;
	_ =	sdelay $0x3  }
0x80: {  	[tilespmem:$0x2DB0] =	vst v55  }
0x81: {  	s15 =	simm.s32 $0x2B80;
	[tilespmem:$0x2BB0] =	vst v0  }
0x82: {  	[tilespmem:s9], [sflag:$0x5] =	stream.indirect.gather [hbm4b:s1+s8], $0x80, s15, s8, $0xb8;
	[tilespmem:$0x1F500] =	vst v63  }
0x83: {  	_ =	swait.ge [sflag:s11], $0x40  }
0x84: {  	[sflag:s11] =	ssyncset.done $0x0  }
0x85: {  	[sflag:s11] =	ssyncadd.s32 $0xFFFFFFC0  }
0x86: {  	_ =	swait.ge [sflag:s11], $0x40  }
0x87: {  	[sflag:s11] =	ssyncset.done $0x0  }
0x88: {  	[sflag:s11] =	ssyncadd.s32 $0xFFFFFFC0  }
0x89: {  	v56 =	vld [tilespmem:$0x2800];
	_ =	sdelay $0x5  }
0x8a: {  	v57 =	vld [tilespmem:$0x2810]  }
0x8b: {  	v58 =	vld [tilespmem:$0x2A00]  }
0x8c: {  	v0 =	vld.idx.msk [tilespmem:v56+s6+$0x0], $0xffff;
	_ =	sdelay $0x3  }
0x8d: {  	v59 =	vld [tilespmem:$0x2820];
	[tilespmem:$0x2E00] =	vst v58  }
0x8e: {  	v60 =	vld [tilespmem:$0x2A10];
	[tilespmem:$0x2C00] =	vst v0  }
0x8f: {  	v1 =	vld.idx.msk [tilespmem:v57+s6+$0x0], $0xffff;
	_ =	sdelay $0x3  }
0x90: {  	v61 =	vld [tilespmem:$0x2830];
	[tilespmem:$0x2E10] =	vst v60  }
0x91: {  	v62 =	vld [tilespmem:$0x2A20];
	[tilespmem:$0x2C10] =	vst v1  }
0x92: {  	v0 =	vld.idx.msk [tilespmem:v59+s6+$0x0], $0xffff;
	_ =	sdelay $0x3  }
0x93: {  	[tilespmem:$0x2E20] =	vst v62  }
0x94: {  	v63 =	vld [tilespmem:$0x2A30];
	[tilespmem:$0x2C20] =	vst v0  }
0x95: {  	v0 =	vld.idx.msk [tilespmem:v61+s6+$0x0], $0xffff;
	_ =	sdelay $0x3  }
0x96: {  	[tilespmem:$0x2E30] =	vst v63  }
0x97: {  	s17 =	simm.s32 $0x2C00;
	[tilespmem:$0x2C30] =	vst v0  }
0x98: {  	[tilespmem:s13], [sflag:$0x6] =	stream.indirect.gather [hbm4b:s1+s8], $0x80, s17, s8, $0xb8;
	[tilespmem:$0x1F500] =	vst v63  }
0x99: {  	[bflag:$0x0] =	sbarrier.arrive $0xFFFF  }
0x9a: {  	s0 =	simm.s32 $0x0;
	s3 =	rddreg [dreg:$0x15]  }
.LBB2_2:
0x9b: {  	_ =	swait.ge [sflag:s14], $0x2000  }
0x9c: {  	[sflag:s14] =	ssyncset.done $0x0  }
0x9d: {  	s5 =	simm.s32 $0x2D80;
	p1 =	seq.s32 s0, $0x0;
	[sflag:s14] =	ssyncadd.s32 $0xFFFFE000  }
0x9e: {  	[spmem:s4] =	stream.indirect.scatter.add.f32 [tilespmem:s9], [sflag:$0x9], $0x80, s5, s8, $0xb8;
	[tilespmem:$0x1F500] =	vst v63  }
0x9f: {  	s5 =	simm.s32 @!p1 $0xB  }
0xa0: {  	_ =	swait.ge @!p1 [sflag:s5], $0x2000  }
0xa1: {  	[sflag:s5] =	ssyncset.done @!p1 $0x0  }
0xa2: {  	[sflag:s5] =	ssyncadd.s32 @!p1 $0xFFFFE000  }
0xa3: {  	_ =	swait.ge [sflag:s16], $0x40  }
0xa4: {  	[sflag:s16] =	ssyncset.done $0x0  }
0xa5: {  	[sflag:s16] =	ssyncadd.s32 $0xFFFFFFC0  }
0xa6: {  	_ =	swait.ge [sflag:s16], $0x40  }
0xa7: {  	[sflag:s16] =	ssyncset.done $0x0  }
0xa8: {  	[sflag:s16] =	ssyncadd.s32 $0xFFFFFFC0  }
0xa9: {  	v0 =	vld [tilespmem:$0x2880];
	_ =	sdelay $0x5  }
0xaa: {  	v1 =	vld [tilespmem:$0x2890]  }
0xab: {  	v2 =	vld [tilespmem:$0x2A80]  }
0xac: {  	v0 =	vld.idx.msk [tilespmem:v0+s6+$0x0], $0xffff;
	_ =	sdelay $0x3  }
0xad: {  	v51 =	vld [tilespmem:$0x28A0];
	[tilespmem:$0x2E80] =	vst v2  }
0xae: {  	v52 =	vld [tilespmem:$0x2A90];
	[tilespmem:$0x2C80] =	vst v0  }
0xaf: {  	v1 =	vld.idx.msk [tilespmem:v1+s6+$0x0], $0xffff;
	_ =	sdelay $0x3  }
0xb0: {  	v53 =	vld [tilespmem:$0x28B0];
	[tilespmem:$0x2E90] =	vst v52  }
0xb1: {  	v54 =	vld [tilespmem:$0x2AA0];
	[tilespmem:$0x2C90] =	vst v1  }
0xb2: {  	v0 =	vld.idx.msk [tilespmem:v51+s6+$0x0], $0xffff;
	_ =	sdelay $0x3  }
0xb3: {  	[tilespmem:$0x2EA0] =	vst v54  }
0xb4: {  	v55 =	vld [tilespmem:$0x2AB0];
	[tilespmem:$0x2CA0] =	vst v0  }
0xb5: {  	v0 =	vld.idx.msk [tilespmem:v53+s6+$0x0], $0xffff;
	_ =	sdelay $0x3  }
0xb6: {  	p0 =	seq.s32 s0, $0x4C0;
	[tilespmem:$0x2EB0] =	vst v55  }
0xb7: {  	s17 =	simm.s32 $0x2C80;
	s12 =	sshrl.u32 @!p0 s3, $0x3;
	[tilespmem:$0x2CB0] =	vst v0  }
0xb8: {  	[tilespmem:s18], [sflag:$0x7] =	stream.indirect.gather [hbm4b:s1+s8], $0x80, s17, s8, $0xb8;
	[tilespmem:$0x1F500] =	vst v63  }
0xb9: {  	s15 =	sadd.s32 @!p0 s7, s12;
	s5 =	simm.s32 @!p0 $0x0;
	s17 =	simm.s32 @!p0 $0x2780  }
0xba: {  	[tilespmem:s17], [sflag:$0x1] =	stream.linear.gather @!p0 [hbm4b:s15+s5], $0x40, $0x38;
	[tilespmem:$0x1F500] =	vst v63  }
0xbb: {  	s15 =	rddreg [dreg:$0x3]  }
0xbc: {  	s12 =	sadd.s32 @!p0 s15, s12;
	s15 =	simm.s32 @!p0 $0x2980  }
0xbd: {  	[tilespmem:s15], [sflag:$0x1] =	stream.linear.gather @!p0 [hbm4b:s12+s5], $0x40, $0x38;
	[tilespmem:$0x1F500] =	vst v63  }
0xbe: {  	_ =	swait.ge [sflag:s19], $0x2000  }
0xbf: {  	[sflag:s19] =	ssyncset.done $0x0  }
0xc0: {  	s12 =	simm.s32 @!p1 $0xC;
	[sflag:s19] =	ssyncadd.s32 $0xFFFFE000  }
0xc1: {  	[spmem:s4] =	stream.indirect.scatter.add.f32 [tilespmem:s13], [sflag:$0xA], $0x80, s20, s8, $0xb8;
	[tilespmem:$0x1F500] =	vst v63  }
0xc2: {  	_ =	swait.ge @!p1 [sflag:s12], $0x2000  }
0xc3: {  	[sflag:s12] =	ssyncset.done @!p1 $0x0  }
0xc4: {  	[sflag:s12] =	ssyncadd.s32 @!p1 $0xFFFFE000  }
0xc5: {  	_ =	swait.ge [sflag:s21], $0x40  }
0xc6: {  	[sflag:s21] =	ssyncset.done $0x0  }
0xc7: {  	[sflag:s21] =	ssyncadd.s32 $0xFFFFFFC0  }
0xc8: {  	_ =	swait.ge [sflag:s21], $0x40  }
0xc9: {  	[sflag:s21] =	ssyncset.done $0x0  }
0xca: {  	[sflag:s21] =	ssyncadd.s32 $0xFFFFFFC0  }
0xcb: {  	v56 =	vld [tilespmem:$0x2900];
	_ =	sdelay $0x5  }
0xcc: {  	v57 =	vld [tilespmem:$0x2910]  }
0xcd: {  	v58 =	vld [tilespmem:$0x2B00]  }
0xce: {  	v0 =	vld.idx.msk [tilespmem:v56+s6+$0x0], $0xffff;
	_ =	sdelay $0x3  }
0xcf: {  	v59 =	vld [tilespmem:$0x2920];
	[tilespmem:$0x2F00] =	vst v58  }
0xd0: {  	v60 =	vld [tilespmem:$0x2B10];
	[tilespmem:$0x2D00] =	vst v0  }
0xd1: {  	v1 =	vld.idx.msk [tilespmem:v57+s6+$0x0], $0xffff;
	_ =	sdelay $0x3  }
0xd2: {  	v61 =	vld [tilespmem:$0x2930];
	[tilespmem:$0x2F10] =	vst v60  }
0xd3: {  	v62 =	vld [tilespmem:$0x2B20];
	[tilespmem:$0x2D10] =	vst v1  }
0xd4: {  	v0 =	vld.idx.msk [tilespmem:v59+s6+$0x0], $0xffff;
	_ =	sdelay $0x3  }
0xd5: {  	[tilespmem:$0x2F20] =	vst v62  }
0xd6: {  	v63 =	vld [tilespmem:$0x2B30];
	[tilespmem:$0x2D20] =	vst v0  }
0xd7: {  	v0 =	vld.idx.msk [tilespmem:v61+s6+$0x0], $0xffff;
	_ =	sdelay $0x3  }
0xd8: {  	[tilespmem:$0x2F30] =	vst v63  }
0xd9: {  	s12 =	simm.s32 @p0 $0x7;
	[tilespmem:$0x2D30] =	vst v0  }
0xda: {  	[tilespmem:s30], [sflag:$0x8] =	stream.indirect.gather [hbm4b:s1+s8], $0x80, s22, s8, $0xb8;
	[tilespmem:$0x1F500] =	vst v63  }
0xdb: {  	_ =	swait.ge @p0 [sflag:s12], $0x2000  }
0xdc: {  	s17 =	simm.s32 @p0 $0x6F80;
	[sflag:s12] =	ssyncset.done @p0 $0x0  }
0xdd: {  	s15 =	simm.s32 @p0 $0x2E80;
	[sflag:s12] =	ssyncadd.s32 @p0 $0xFFFFE000;
	s12 =	simm.s32 @p0 $0x40  }
0xde: {  	[spmem:s4] =	stream.indirect.scatter.add.f32 @p0 [tilespmem:s17], [sflag:$0xB], $0x80, s15, s12, $0xb8;
	[tilespmem:$0x1F500] =	vst v63  }
0xdf: {  	s12 =	sadd.s32 @!p0 s0, s29;
	s15 =	simm.s32 @!p0 $0x2800  }
0xe0: {  	[tilespmem:s15], [sflag:$0x2] =	stream.linear.gather @!p0 [hbm4b:s12+s5], $0x40, $0x38;
	[tilespmem:$0x1F500] =	vst v63  }
0xe1: {  	s12 =	sadd.s32 @!p0 s0, s28;
	s15 =	simm.s32 @!p0 $0x2A00  }
0xe2: {  	[tilespmem:s15], [sflag:$0x2] =	stream.linear.gather @!p0 [hbm4b:s12+s5], $0x40, $0x38;
	[tilespmem:$0x1F500] =	vst v63  }
0xe3: {  	s12 =	simm.s32 @!p0 $0x7  }
0xe4: {  	_ =	swait.ge @!p0 [sflag:s12], $0x2000  }
0xe5: {  	s17 =	simm.s32 @!p0 $0x6F80;
	[sflag:s12] =	ssyncset.done @!p0 $0x0  }
0xe6: {  	s15 =	simm.s32 @!p0 $0x2E80;
	[sflag:s12] =	ssyncadd.s32 @!p0 $0xFFFFE000;
	s12 =	simm.s32 @!p0 $0x40  }
0xe7: {  	[spmem:s4] =	stream.indirect.scatter.add.f32 @!p0 [tilespmem:s17], [sflag:$0xB], $0x80, s15, s12, $0xb8;
	[tilespmem:$0x1F500] =	vst v63  }
0xe8: {  	s15 =	simm.s32 @!p0 $0x9  }
0xe9: {  	_ =	swait.ge @!p0 [sflag:s15], $0x2000  }
0xea: {  	[sflag:s15] =	ssyncset.done @!p0 $0x0  }
0xeb: {  	[sflag:s15] =	ssyncadd.s32 @!p0 $0xFFFFE000;
	s15 =	simm.s32 @!p0 $0x1  }
0xec: {  	_ =	swait.ge @!p0 [sflag:s15], $0x40  }
0xed: {  	[sflag:s15] =	ssyncset.done @!p0 $0x0  }
0xee: {  	[sflag:s15] =	ssyncadd.s32 @!p0 $0xFFFFFFC0  }
0xef: {  	_ =	swait.ge @!p0 [sflag:s15], $0x40  }
0xf0: {  	[sflag:s15] =	ssyncset.done @!p0 $0x0  }
0xf1: {  	[sflag:s15] =	ssyncadd.s32 @!p0 $0xFFFFFFC0  }
0xf2: {  	v0 =	vld @!p0 [tilespmem:$0x2780];
	_ =	sdelay $0x5  }
0xf3: {  	v1 =	vld @!p0 [tilespmem:$0x2790]  }
0xf4: {  	v2 =	vld @!p0 [tilespmem:$0x2980]  }
0xf5: {  	v0 =	vld.idx.msk @!p0 [tilespmem:v0+s5+$0x0], $0xffff;
	_ =	sdelay $0x3  }
0xf6: {  	[tilespmem:$0x2D80] =	vst @!p0 v2  }
0xf7: {  	[tilespmem:$0x2B80] =	vst @!p0 v0;
	v0 =	vld @!p0 [tilespmem:$0x27A0]  }
0xf8: {  	v1 =	vld.idx.msk @!p0 [tilespmem:v1+s5+$0x0], $0xffff  }
0xf9: {  	v2 =	vld @!p0 [tilespmem:$0x2990];
	_ =	sdelay $0x3  }
0xfa: {  	[tilespmem:$0x2B90] =	vst @!p0 v1;
	v1 =	vld @!p0 [tilespmem:$0x27B0]  }
0xfb: {  	[tilespmem:$0x2D90] =	vst @!p0 v2;
	v2 =	vld @!p0 [tilespmem:$0x29A0]  }
0xfc: {  	v0 =	vld.idx.msk @!p0 [tilespmem:v0+s5+$0x0], $0xffff;
	_ =	sdelay $0x3  }
0xfd: {  	[tilespmem:$0x2DA0] =	vst @!p0 v2  }
0xfe: {  	[tilespmem:$0x2BA0] =	vst @!p0 v0  }
0xff: {  	v0 =	vld.idx.msk @!p0 [tilespmem:v1+s5+$0x0], $0xffff  }
0x100: {  	v1 =	vld @!p0 [tilespmem:$0x29B0];
	_ =	sdelay $0x3  }
0x101: {  	[tilespmem:$0x2BB0] =	vst @!p0 v0  }
0x102: {  	s17 =	simm.s32 @!p0 $0x2F80;
	s15 =	simm.s32 @!p0 $0x2B80;
	[tilespmem:$0x2DB0] =	vst @!p0 v1  }
0x103: {  	[tilespmem:s17], [sflag:$0x5] =	stream.indirect.gather @!p0 [hbm4b:s1+s12], $0x80, s15, s12, $0xb8;
	[tilespmem:$0x1F500] =	vst v63  }
0x104: {  	s12 =	sadd.s32 @!p0 s0, s26;
	s15 =	simm.s32 @!p0 $0x2880  }
0x105: {  	[tilespmem:s15], [sflag:$0x3] =	stream.linear.gather @!p0 [hbm4b:s12+s5], $0x40, $0x38;
	[tilespmem:$0x1F500] =	vst v63  }
0x106: {  	s12 =	sadd.s32 @!p0 s0, s25;
	s15 =	simm.s32 @!p0 $0x2A80  }
0x107: {  	[tilespmem:s15], [sflag:$0x3] =	stream.linear.gather @!p0 [hbm4b:s12+s5], $0x40, $0x38;
	[tilespmem:$0x1F500] =	vst v63  }
.Ltmp2:
0x108: {  	_ = 	snop;
	(pc) =	sbr.rel @p0 .LBB2_4-.Ltmp2, $4  }
0x109: {  	_ =	swait.ge [sflag:s10], $0x2000  }
0x10a: {  	[sflag:s10] =	ssyncset.done $0x0  }
0x10b: {  	[sflag:s10] =	ssyncadd.s32 $0xFFFFE000  }
0x10c: {  	[spmem:s4] =	stream.indirect.scatter.add.f32 [tilespmem:s30], [sflag:$0xC], $0x80, s2, s8, $0xb8;
	[tilespmem:$0x1F500] =	vst v63  }
0x10d: {  	_ =	swait.ge [sflag:s31], $0x2000  }
0x10e: {  	[sflag:s31] =	ssyncset.done $0x0  }
0x10f: {  	[sflag:s31] =	ssyncadd.s32 $0xFFFFE000  }
0x110: {  	_ =	swait.ge [sflag:s11], $0x40  }
0x111: {  	[sflag:s11] =	ssyncset.done $0x0  }
0x112: {  	[sflag:s11] =	ssyncadd.s32 $0xFFFFFFC0  }
0x113: {  	_ =	swait.ge [sflag:s11], $0x40  }
0x114: {  	[sflag:s11] =	ssyncset.done $0x0  }
0x115: {  	[sflag:s11] =	ssyncadd.s32 $0xFFFFFFC0  }
0x116: {  	v0 =	vld [tilespmem:$0x2800];
	_ =	sdelay $0x5  }
0x117: {  	v1 =	vld [tilespmem:$0x2810]  }
0x118: {  	v2 =	vld [tilespmem:$0x2A00]  }
0x119: {  	v0 =	vld.idx.msk [tilespmem:v0+s6+$0x0], $0xffff;
	_ =	sdelay $0x3  }
0x11a: {  	v59 =	vld [tilespmem:$0x2820];
	[tilespmem:$0x2E00] =	vst v2  }
0x11b: {  	v60 =	vld [tilespmem:$0x2A10];
	[tilespmem:$0x2C00] =	vst v0  }
0x11c: {  	v1 =	vld.idx.msk [tilespmem:v1+s6+$0x0], $0xffff;
	_ =	sdelay $0x3  }
0x11d: {  	v61 =	vld [tilespmem:$0x2830];
	[tilespmem:$0x2E10] =	vst v60  }
0x11e: {  	v62 =	vld [tilespmem:$0x2A20];
	[tilespmem:$0x2C10] =	vst v1  }
0x11f: {  	v0 =	vld.idx.msk [tilespmem:v59+s6+$0x0], $0xffff;
	_ =	sdelay $0x3  }
0x120: {  	[tilespmem:$0x2E20] =	vst v62  }
0x121: {  	v63 =	vld [tilespmem:$0x2A30];
	[tilespmem:$0x2C20] =	vst v0  }
0x122: {  	v0 =	vld.idx.msk [tilespmem:v61+s6+$0x0], $0xffff;
	_ =	sdelay $0x3  }
0x123: {  	[tilespmem:$0x2E30] =	vst v63  }
0x124: {  	s5 =	simm.s32 $0x2C00;
	[tilespmem:$0x2C30] =	vst v0  }
0x125: {  	[tilespmem:s13], [sflag:$0x6] =	stream.indirect.gather [hbm4b:s1+s8], $0x80, s5, s8, $0xb8;
	[tilespmem:$0x1F500] =	vst v63  }
.Ltmp3:
0x126: {  	_ = 	snop;
	(pc) =	sbr.rel .LBB2_2-.Ltmp3, $4  }
0x127: {  	s17 =	sadd.s32 s0, s24;
	s12 =	simm.s32 $0x2900;
	s15 =	sadd.s32 s0, s23  }
0x128: {  	[tilespmem:s12], [sflag:$0x4] =	stream.linear.gather [hbm4b:s17+s6], $0x40, $0x38;
	[tilespmem:$0x1F500] =	vst v63  }
0x129: {  	s0 =	sadd.s32 $0x20, s0;
	s3 =	sadd.s32 $0x100, s3;
	s17 =	simm.s32 $0x2B00  }
0x12a: {  	[tilespmem:s17], [sflag:$0x4] =	stream.linear.gather [hbm4b:s15+s6], $0x40, $0x38;
	[tilespmem:$0x1F500] =	vst v63  }
.LBB2_5:
0x12b: {  	_ =	sfence.sel $0x180000  }
0x12c: {  	[bflag:$0x0] =	sbarrier.arrive $0xFFFF  }
0x12d: {  	_ =	strace $0x90000047  }
0x12e: {  	s0 =	stileid.u32;
	[bflag:$0x2] =	sbarrier.arrive $0xFFFF  }
0x12f: {  	p0 =	sne.s32 s0, $0x0;
	s0 =	rddreg [dreg:$0x5]  }
0x130: {  	s0 =	sadd.s32 @!p0 $0x100000, s0  }
0x131: {  	[sflag:s0] =	ssyncadd.tile.s32 @!p0 $0x1;
	_ =	shalt  }
.Lfunc_end2:
_tile_overlayer_lowered:
.L_overlay_start_2:
0x132: {  	(tag) =	ssettag $0x2  }
0x133: {  	s0 =	rddreg [dreg:$0x0];
	s2 =	stileid.u32  }
0x134: {  	s1 =	rddreg [dreg:$0x1];
	p0 =	sne.s32 s2, $0x0  }
0x135: {  	s3 =	rddreg [dreg:$0x2];
	[bflag:$0x3] =	sbarrier.arrive $0xFFFF;
	s2 =	simm.s32 @!p0 $0x1C0D  }
0x136: {  	[timem:s3], [sflag:s2] =	dma.local @!p0 [hbm:s0], s1  }
0x137: {  	s0 =	simm.s32 @!p0 $0xD  }
0x138: {  	_ =	swait.ge @!p0 [sflag:s0], s1  }
0x139: {  	s1 =	ssub.s32 @!p0 $0x0, s1;
	[sflag:s0] =	ssyncset.done @!p0 $0x0  }
0x13a: {  	[sflag:s0] =	ssyncadd.s32 @!p0 s1  }
0x13b: {  	[bflag:$0x3] =	sbarrier.arrive $0xFFFF  }
0x13c: {  	_ =	shalt  }

</sc_bundles>
